<compile_context>
chip_gen: v7x
topology: tpu7x:2x2x1
jax: 0.10.2.dev20260603
libtpu: 0.0.44.dev20260713+nightly
codegen_flags: <defaults>
</compile_context>

<pallas_src>
import functools

import jax
import jax.numpy as jnp
from jax import lax
from jax.experimental import pallas as pl
from jax.experimental.pallas import tpu as pltpu
from jax.experimental.pallas import tpu_sc as plsc

NBINS = 10
NC = 2
NS = 16
NW = NC * NS
LANES = 16
CHUNK_ROWS = 25000


@functools.partial(jax.jit, static_argnums=(3, 4, 5))
def _sc_hist(p0, p1, target, row_off, n_rows, chunk_rows):
    rows_per_w = n_rows // NW
    n_chunks = rows_per_w // chunk_rows
    full_iters = chunk_rows // LANES
    tail = chunk_rows - full_iters * LANES

    mesh = plsc.VectorSubcoreMesh(core_axis_name="c", subcore_axis_name="s")

    @functools.partial(
        pl.kernel,
        out_type=[
            jax.ShapeDtypeStruct((NW, NBINS, LANES), jnp.float32),
            jax.ShapeDtypeStruct((NW, NBINS, LANES), jnp.float32),
        ],
        mesh=mesh,
        compiler_params=pltpu.CompilerParams(needs_layout_passes=False),
        scratch_types=[
            pltpu.VMEM((chunk_rows,), jnp.float32),
            pltpu.VMEM((chunk_rows,), jnp.float32),
            pltpu.VMEM((chunk_rows,), jnp.int32),
            pltpu.VMEM((NBINS, LANES), jnp.float32),
            pltpu.VMEM((NBINS, LANES), jnp.float32),
            pltpu.SemaphoreType.DMA,
            pltpu.SemaphoreType.DMA,
            pltpu.SemaphoreType.DMA,
        ],
    )
    def hist(p0_hbm, p1_hbm, tgt_hbm, outc_hbm, outs_hbm, pbuf0, pbuf1, tbuf, cnt, acc,
             sem0, sem1, sem2):
        wid = lax.axis_index("s") * NC + lax.axis_index("c")
        iota = lax.iota(jnp.int32, LANES)
        zeros = jnp.zeros((LANES,), jnp.float32)
        ones = jnp.ones((LANES,), jnp.float32)
        for b in range(NBINS):
            cnt[b] = zeros
            acc[b] = zeros
        row0 = wid * rows_per_w

        def accum(p, tg, colv, mask):
            oh = tg == colv
            spos = (p >= 0.0) != oh
            a = jnp.abs(p)
            e = jnp.exp(-a)
            r = 1.0 / (1.0 + e)
            g = jnp.where(spos, r, e * r)
            k = jnp.minimum((g * 10.0).astype(jnp.int32), NBINS - 1)
            z = e / (e + 2.0)
            z2 = z * z
            l = z * (2.0 + z2 * (0.66666667 + z2 * (0.4 + z2 * 0.28571429)))
            bce = jnp.where(spos, a, 0.0) + l
            plsc.addupdate_scatter(cnt, [k, iota], ones, mask=mask)
            plsc.addupdate_scatter(acc, [k, iota], bce, mask=mask)

        def chunk_body(c, carry):
            rbase = row0 + c * chunk_rows
            c0 = pltpu.async_copy(p0_hbm.at[pl.ds(rbase, chunk_rows)], pbuf0, sem0)
            c1 = pltpu.async_copy(p1_hbm.at[pl.ds(rbase, chunk_rows)], pbuf1, sem1)
            c2 = pltpu.async_copy(tgt_hbm.at[pl.ds(row_off + rbase, chunk_rows)], tbuf, sem2)
            c0.wait()
            c1.wait()
            c2.wait()

            @plsc.parallel_loop(0, full_iters, 1, unroll=4)
            def elem(i):
                o = i * LANES
                tg = tbuf[pl.ds(o, LANES)]
                accum(pbuf0[pl.ds(o, LANES)], tg, 0, None)
                accum(pbuf1[pl.ds(o, LANES)], tg, 1, None)

            if tail:
                o = chunk_rows - LANES
                tmask = iota >= (LANES - tail)
                tg = tbuf[pl.ds(o, LANES)]
                accum(pbuf0[pl.ds(o, LANES)], tg, 0, tmask)
                accum(pbuf1[pl.ds(o, LANES)], tg, 1, tmask)
            return carry

        lax.fori_loop(0, n_chunks, chunk_body, 0, unroll=False)
        pltpu.sync_copy(cnt, outc_hbm.at[wid])
        pltpu.sync_copy(acc, outs_hbm.at[wid])

    return hist(p0, p1, target)


ROWS_A = 2_560_000
CHUNK_A = 20_000
CHUNK_B = 15_000


def kernel(pred, target):
    n_rows = pred.shape[0]
    tgt = target.astype(jnp.int32)
    p0a = pred[:ROWS_A, 0]
    p1a = pred[:ROWS_A, 1]
    predg, p0a, p1a = lax.optimization_barrier((pred, p0a, p1a))
    p0b = predg[ROWS_A:, 0]
    p1b = predg[ROWS_A:, 1]
    ac, asum = _sc_hist(p0a, p1a, tgt, 0, ROWS_A, CHUNK_A)
    bc, bsum = _sc_hist(p0b, p1b, tgt, ROWS_A, n_rows - ROWS_A, CHUNK_B)
    outc = ac + bc
    outs = asum + bsum
    num = outc.sum(axis=(0, 2))
    s = outs.sum(axis=(0, 2))
    nz = num > 0
    n = nz.sum().astype(jnp.float32)
    per_bin = jnp.where(nz, s / jnp.maximum(num, 1.0), 0.0)
    return per_bin.sum() / jnp.maximum(n, 1.0)

# --- scband reference (transcript-rebuilt; emitter-appended) ---
"""Pipeline reference for scband-ghmc-11596411700015 (READ-ONLY COPY).

The authoritative reference and input builder live on the scoring server;
editing this copy changes nothing except your own understanding.
"""

import jax, jax.numpy as jnp
import numpy as np

BINS = 10
LOSS_WEIGHT = 1.0
B = 4000000


def setup_inputs(seed: int = 0) -> dict:
    key = jax.random.key(seed)
    pred = jax.random.normal(jax.random.fold_in(key, 0), (B, 2), dtype=jnp.float32)
    target = jax.random.randint(jax.random.fold_in(key, 1), (B,), 0, 2)
    return {"pred": pred, "target": target}


def reference(pred, target):
    bins = BINS
    n_samples = pred.shape[0]
    edges = jnp.arange(bins + 1, dtype=jnp.float32) / bins
    edges = edges.at[-1].add(1e-06)
    # target -> one-hot via scatter-overwrite, matching torch.scatter_(1, target, 1)
    target_oh = jnp.zeros((n_samples, 2), dtype=jnp.float32).at[jnp.arange(n_samples), target].set(1.0)
    label_weight = jnp.ones((n_samples, pred.shape[-1]), dtype=jnp.float32)
    # gradient norm proxy (detached in torch -> stop_gradient)
    g = jnp.abs(jax.nn.sigmoid(jax.lax.stop_gradient(pred)) - target_oh)
    valid = label_weight > 0
    tot = jnp.maximum(valid.astype(jnp.float32).sum(), 1.0)
    weights = jnp.zeros_like(pred)
    n = jnp.array(0.0, dtype=jnp.float32)
    for i in range(bins):
        inds = (g >= edges[i]) & (g < edges[i + 1]) & valid
        num_in_bin = inds.astype(jnp.float32).sum()
        w_val = jnp.where(num_in_bin > 0, tot / jnp.maximum(num_in_bin, 1.0), 0.0)
        # bins are disjoint, so additive accumulation == overwrite assignment
        weights = weights + inds.astype(jnp.float32) * w_val
        n = n + (num_in_bin > 0).astype(jnp.float32)
    weights = jnp.where(n > 0, weights / jnp.maximum(n, 1.0), weights)
    # binary_cross_entropy_with_logits with per-element weights, reduction='sum'
    bce = jnp.maximum(pred, 0.0) - pred * target_oh + jnp.log1p(jnp.exp(-jnp.abs(pred)))
    loss = jnp.sum(weights * bce) / tot
    return loss * LOSS_WEIGHT

if __name__ == "__main__":
    import jax
    _d = setup_inputs()
    print(jax.jit(kernel)(*tuple(_d.values())))

</pallas_src>

<mosaic_0001>
#map = affine_map<(d0, d1) -> (0)>
#map1 = affine_map<(d0, d1) -> (0, 0, 0)>
module attributes {stable_mosaic.version = 14 : i64} {
  func.func @hist(%arg0: i32, %arg1: i32, %arg2: memref<2560000xf32, #tpu.memory_space<hbm>>, %arg3: memref<2560000xf32, #tpu.memory_space<hbm>>, %arg4: memref<4000000xi32, #tpu.memory_space<hbm>>, %arg5: memref<32x10x16xf32, #tpu.memory_space<hbm>>, %arg6: memref<32x10x16xf32, #tpu.memory_space<hbm>>, %arg7: memref<20000xf32, #tpu.memory_space<vmem>>, %arg8: memref<20000xf32, #tpu.memory_space<vmem>>, %arg9: memref<20000xi32, #tpu.memory_space<vmem>>, %arg10: memref<10x16xf32, #tpu.memory_space<vmem>>, %arg11: memref<10x16xf32, #tpu.memory_space<vmem>>, %arg12: memref<!tpu.dma_semaphore, #tpu.memory_space<semaphore_mem>>, %arg13: memref<!tpu.dma_semaphore, #tpu.memory_space<semaphore_mem>>, %arg14: memref<!tpu.dma_semaphore, #tpu.memory_space<semaphore_mem>>) attributes {dimension_semantics = [#tpu.dimension_semantics<core_parallel>, #tpu.dimension_semantics<subcore_parallel>], iteration_bounds = array<i64: 2, 16>, scalar_prefetch = 0 : i64, scratch_operands = 8 : i64, tpu.core_type = #tpu.core_type<sc_vector_subcore>, window_params = [{transform_indices = #map}, {transform_indices = #map}, {transform_indices = #map}, {transform_indices = #map1}, {transform_indices = #map1}]} {
    %mul3A = arith.constant 2 : i32
    %mul3A_0 = arith.muli %arg1, %mul3A : i32
    %add3A = arith.addi %mul3A_0, %arg0 : i32
    %iota3A = tpu.iota {dimensions = array<i32: 0>} : vector<16xi32>
    %broadcast_in_dim3A = arith.constant 0.000000e+00 : f32
    %broadcast_in_dim3A_1 = vector.broadcast %broadcast_in_dim3A : f32 to vector<16xf32>
    %broadcast_in_dim3A_2 = arith.constant 1.000000e+00 : f32
    %broadcast_in_dim3A_3 = vector.broadcast %broadcast_in_dim3A_2 : f32 to vector<16xf32>
    %swap3A = arith.constant 0 : i32
    %swap3A_4 = arith.index_cast %swap3A : i32 to index
    %swap3A_5 = arith.constant 0 : index
    %swap3A_6 = tpu.vector_load %arg10[%swap3A_4, %swap3A_5] {strides = array<i32>} : memref<10x16xf32, #tpu.memory_space<vmem>>, vector<16xf32>,
    tpu.vector_store %arg10[%swap3A_4, %swap3A_5], %broadcast_in_dim3A_1 {strides = array<i32>} : memref<10x16xf32, #tpu.memory_space<vmem>>, vector<16xf32>,
    %swap3A_7 = arith.constant 0 : i32
    %swap3A_8 = arith.index_cast %swap3A_7 : i32 to index
    %swap3A_9 = arith.constant 0 : index
    %swap3A_10 = tpu.vector_load %arg11[%swap3A_8, %swap3A_9] {strides = array<i32>} : memref<10x16xf32, #tpu.memory_space<vmem>>, vector<16xf32>,
    tpu.vector_store %arg11[%swap3A_8, %swap3A_9], %broadcast_in_dim3A_1 {strides = array<i32>} : memref<10x16xf32, #tpu.memory_space<vmem>>, vector<16xf32>,
    %swap3A_11 = arith.constant 1 : i32
    %swap3A_12 = arith.index_cast %swap3A_11 : i32 to index
    %swap3A_13 = arith.constant 0 : index
    %swap3A_14 = tpu.vector_load %arg10[%swap3A_12, %swap3A_13] {strides = array<i32>} : memref<10x16xf32, #tpu.memory_space<vmem>>, vector<16xf32>,
    tpu.vector_store %arg10[%swap3A_12, %swap3A_13], %broadcast_in_dim3A_1 {strides = array<i32>} : memref<10x16xf32, #tpu.memory_space<vmem>>, vector<16xf32>,
    %swap3A_15 = arith.constant 1 : i32
    %swap3A_16 = arith.index_cast %swap3A_15 : i32 to index
    %swap3A_17 = arith.constant 0 : index
    %swap3A_18 = tpu.vector_load %arg11[%swap3A_16, %swap3A_17] {strides = array<i32>} : memref<10x16xf32, #tpu.memory_space<vmem>>, vector<16xf32>,
    tpu.vector_store %arg11[%swap3A_16, %swap3A_17], %broadcast_in_dim3A_1 {strides = array<i32>} : memref<10x16xf32, #tpu.memory_space<vmem>>, vector<16xf32>,
    %swap3A_19 = arith.constant 2 : i32
    %swap3A_20 = arith.index_cast %swap3A_19 : i32 to index
    %swap3A_21 = arith.constant 0 : index
    %swap3A_22 = tpu.vector_load %arg10[%swap3A_20, %swap3A_21] {strides = array<i32>} : memref<10x16xf32, #tpu.memory_space<vmem>>, vector<16xf32>,
    tpu.vector_store %arg10[%swap3A_20, %swap3A_21], %broadcast_in_dim3A_1 {strides = array<i32>} : memref<10x16xf32, #tpu.memory_space<vmem>>, vector<16xf32>,
    %swap3A_23 = arith.constant 2 : i32
    %swap3A_24 = arith.index_cast %swap3A_23 : i32 to index
    %swap3A_25 = arith.constant 0 : index
    %swap3A_26 = tpu.vector_load %arg11[%swap3A_24, %swap3A_25] {strides = array<i32>} : memref<10x16xf32, #tpu.memory_space<vmem>>, vector<16xf32>,
    tpu.vector_store %arg11[%swap3A_24, %swap3A_25], %broadcast_in_dim3A_1 {strides = array<i32>} : memref<10x16xf32, #tpu.memory_space<vmem>>, vector<16xf32>,
    %swap3A_27 = arith.constant 3 : i32
    %swap3A_28 = arith.index_cast %swap3A_27 : i32 to index
    %swap3A_29 = arith.constant 0 : index
    %swap3A_30 = tpu.vector_load %arg10[%swap3A_28, %swap3A_29] {strides = array<i32>} : memref<10x16xf32, #tpu.memory_space<vmem>>, vector<16xf32>,
    tpu.vector_store %arg10[%swap3A_28, %swap3A_29], %broadcast_in_dim3A_1 {strides = array<i32>} : memref<10x16xf32, #tpu.memory_space<vmem>>, vector<16xf32>,
    %swap3A_31 = arith.constant 3 : i32
    %swap3A_32 = arith.index_cast %swap3A_31 : i32 to index
    %swap3A_33 = arith.constant 0 : index
    %swap3A_34 = tpu.vector_load %arg11[%swap3A_32, %swap3A_33] {strides = array<i32>} : memref<10x16xf32, #tpu.memory_space<vmem>>, vector<16xf32>,
    tpu.vector_store %arg11[%swap3A_32, %swap3A_33], %broadcast_in_dim3A_1 {strides = array<i32>} : memref<10x16xf32, #tpu.memory_space<vmem>>, vector<16xf32>,
    %swap3A_35 = arith.constant 4 : i32
    %swap3A_36 = arith.index_cast %swap3A_35 : i32 to index
    %swap3A_37 = arith.constant 0 : index
    %swap3A_38 = tpu.vector_load %arg10[%swap3A_36, %swap3A_37] {strides = array<i32>} : memref<10x16xf32, #tpu.memory_space<vmem>>, vector<16xf32>,
    tpu.vector_store %arg10[%swap3A_36, %swap3A_37], %broadcast_in_dim3A_1 {strides = array<i32>} : memref<10x16xf32, #tpu.memory_space<vmem>>, vector<16xf32>,
    %swap3A_39 = arith.constant 4 : i32
    %swap3A_40 = arith.index_cast %swap3A_39 : i32 to index
    %swap3A_41 = arith.constant 0 : index
    %swap3A_42 = tpu.vector_load %arg11[%swap3A_40, %swap3A_41] {strides = array<i32>} : memref<10x16xf32, #tpu.memory_space<vmem>>, vector<16xf32>,
    tpu.vector_store %arg11[%swap3A_40, %swap3A_41], %broadcast_in_dim3A_1 {strides = array<i32>} : memref<10x16xf32, #tpu.memory_space<vmem>>, vector<16xf32>,
    %swap3A_43 = arith.constant 5 : i32
    %swap3A_44 = arith.index_cast %swap3A_43 : i32 to index
    %swap3A_45 = arith.constant 0 : index
    %swap3A_46 = tpu.vector_load %arg10[%swap3A_44, %swap3A_45] {strides = array<i32>} : memref<10x16xf32, #tpu.memory_space<vmem>>, vector<16xf32>,
    tpu.vector_store %arg10[%swap3A_44, %swap3A_45], %broadcast_in_dim3A_1 {strides = array<i32>} : memref<10x16xf32, #tpu.memory_space<vmem>>, vector<16xf32>,
    %swap3A_47 = arith.constant 5 : i32
    %swap3A_48 = arith.index_cast %swap3A_47 : i32 to index
    %swap3A_49 = arith.constant 0 : index
    %swap3A_50 = tpu.vector_load %arg11[%swap3A_48, %swap3A_49] {strides = array<i32>} : memref<10x16xf32, #tpu.memory_space<vmem>>, vector<16xf32>,
    tpu.vector_store %arg11[%swap3A_48, %swap3A_49], %broadcast_in_dim3A_1 {strides = array<i32>} : memref<10x16xf32, #tpu.memory_space<vmem>>, vector<16xf32>,
    %swap3A_51 = arith.constant 6 : i32
    %swap3A_52 = arith.index_cast %swap3A_51 : i32 to index
    %swap3A_53 = arith.constant 0 : index
    %swap3A_54 = tpu.vector_load %arg10[%swap3A_52, %swap3A_53] {strides = array<i32>} : memref<10x16xf32, #tpu.memory_space<vmem>>, vector<16xf32>,
    tpu.vector_store %arg10[%swap3A_52, %swap3A_53], %broadcast_in_dim3A_1 {strides = array<i32>} : memref<10x16xf32, #tpu.memory_space<vmem>>, vector<16xf32>,
    %swap3A_55 = arith.constant 6 : i32
    %swap3A_56 = arith.index_cast %swap3A_55 : i32 to index
    %swap3A_57 = arith.constant 0 : index
    %swap3A_58 = tpu.vector_load %arg11[%swap3A_56, %swap3A_57] {strides = array<i32>} : memref<10x16xf32, #tpu.memory_space<vmem>>, vector<16xf32>,
    tpu.vector_store %arg11[%swap3A_56, %swap3A_57], %broadcast_in_dim3A_1 {strides = array<i32>} : memref<10x16xf32, #tpu.memory_space<vmem>>, vector<16xf32>,
    %swap3A_59 = arith.constant 7 : i32
    %swap3A_60 = arith.index_cast %swap3A_59 : i32 to index
    %swap3A_61 = arith.constant 0 : index
    %swap3A_62 = tpu.vector_load %arg10[%swap3A_60, %swap3A_61] {strides = array<i32>} : memref<10x16xf32, #tpu.memory_space<vmem>>, vector<16xf32>,
    tpu.vector_store %arg10[%swap3A_60, %swap3A_61], %broadcast_in_dim3A_1 {strides = array<i32>} : memref<10x16xf32, #tpu.memory_space<vmem>>, vector<16xf32>,
    %swap3A_63 = arith.constant 7 : i32
    %swap3A_64 = arith.index_cast %swap3A_63 : i32 to index
    %swap3A_65 = arith.constant 0 : index
    %swap3A_66 = tpu.vector_load %arg11[%swap3A_64, %swap3A_65] {strides = array<i32>} : memref<10x16xf32, #tpu.memory_space<vmem>>, vector<16xf32>,
    tpu.vector_store %arg11[%swap3A_64, %swap3A_65], %broadcast_in_dim3A_1 {strides = array<i32>} : memref<10x16xf32, #tpu.memory_space<vmem>>, vector<16xf32>,
    %swap3A_67 = arith.constant 8 : i32
    %swap3A_68 = arith.index_cast %swap3A_67 : i32 to index
    %swap3A_69 = arith.constant 0 : index
    %swap3A_70 = tpu.vector_load %arg10[%swap3A_68, %swap3A_69] {strides = array<i32>} : memref<10x16xf32, #tpu.memory_space<vmem>>, vector<16xf32>,
    tpu.vector_store %arg10[%swap3A_68, %swap3A_69], %broadcast_in_dim3A_1 {strides = array<i32>} : memref<10x16xf32, #tpu.memory_space<vmem>>, vector<16xf32>,
    %swap3A_71 = arith.constant 8 : i32
    %swap3A_72 = arith.index_cast %swap3A_71 : i32 to index
    %swap3A_73 = arith.constant 0 : index
    %swap3A_74 = tpu.vector_load %arg11[%swap3A_72, %swap3A_73] {strides = array<i32>} : memref<10x16xf32, #tpu.memory_space<vmem>>, vector<16xf32>,
    tpu.vector_store %arg11[%swap3A_72, %swap3A_73], %broadcast_in_dim3A_1 {strides = array<i32>} : memref<10x16xf32, #tpu.memory_space<vmem>>, vector<16xf32>,
    %swap3A_75 = arith.constant 9 : i32
    %swap3A_76 = arith.index_cast %swap3A_75 : i32 to index
    %swap3A_77 = arith.constant 0 : index
    %swap3A_78 = tpu.vector_load %arg10[%swap3A_76, %swap3A_77] {strides = array<i32>} : memref<10x16xf32, #tpu.memory_space<vmem>>, vector<16xf32>,
    tpu.vector_store %arg10[%swap3A_76, %swap3A_77], %broadcast_in_dim3A_1 {strides = array<i32>} : memref<10x16xf32, #tpu.memory_space<vmem>>, vector<16xf32>,
    %swap3A_79 = arith.constant 9 : i32
    %swap3A_80 = arith.index_cast %swap3A_79 : i32 to index
    %swap3A_81 = arith.constant 0 : index
    %swap3A_82 = tpu.vector_load %arg11[%swap3A_80, %swap3A_81] {strides = array<i32>} : memref<10x16xf32, #tpu.memory_space<vmem>>, vector<16xf32>,
    tpu.vector_store %arg11[%swap3A_80, %swap3A_81], %broadcast_in_dim3A_1 {strides = array<i32>} : memref<10x16xf32, #tpu.memory_space<vmem>>, vector<16xf32>,
    %mul3A_83 = arith.constant 80000 : i32
    %mul3A_84 = arith.muli %add3A, %mul3A_83 : i32
    %scan3A = arith.constant 0 : i32
    %scan3A_85 = arith.constant 0 : i32
    %scan3A_86 = arith.constant 4 : i32
    %scan3A_87 = arith.addi %scan3A_85, %scan3A_86 : i32
    %scan3A_88 = arith.constant 1 : i32
    scf.for %scan3A_90 = %scan3A_85 to %scan3A_87 step %scan3A_88  : i32 {
      %mul3A_91 = arith.constant 20000 : i32
      %mul3A_92 = arith.muli %scan3A_90, %mul3A_91 : i32
      %add3A_93 = arith.addi %mul3A_84, %mul3A_92 : i32
      %dma_start3A = tpu.memref_slice %arg2[%add3A_93] : memref<2560000xf32, #tpu.memory_space<hbm>> -> memref<20000xf32, #tpu.memory_space<hbm>>
      %dma_start3A_94 = tpu.memref_slice %arg2[%add3A_93] : memref<2560000xf32, #tpu.memory_space<hbm>> -> memref<20000xf32, #tpu.memory_space<hbm>>
      tpu.enqueue_dma source(%dma_start3A_94 : memref<20000xf32, #tpu.memory_space<hbm>>) target(%arg7 : memref<20000xf32, #tpu.memory_space<vmem>>) target_semaphore(%arg12 : memref<!tpu.dma_semaphore, #tpu.memory_space<semaphore_mem>>)
      %dma_start3A_95 = tpu.memref_slice %arg3[%add3A_93] : memref<2560000xf32, #tpu.memory_space<hbm>> -> memref<20000xf32, #tpu.memory_space<hbm>>
      %dma_start3A_96 = tpu.memref_slice %arg3[%add3A_93] : memref<2560000xf32, #tpu.memory_space<hbm>> -> memref<20000xf32, #tpu.memory_space<hbm>>
      tpu.enqueue_dma source(%dma_start3A_96 : memref<20000xf32, #tpu.memory_space<hbm>>) target(%arg8 : memref<20000xf32, #tpu.memory_space<vmem>>) target_semaphore(%arg13 : memref<!tpu.dma_semaphore, #tpu.memory_space<semaphore_mem>>)
      %add3A_97 = arith.constant 0 : i32
      %add3A_98 = arith.addi %add3A_97, %add3A_93 : i32
      %dma_start3A_99 = tpu.memref_slice %arg4[%add3A_98] : memref<4000000xi32, #tpu.memory_space<hbm>> -> memref<20000xi32, #tpu.memory_space<hbm>>
      %dma_start3A_100 = tpu.memref_slice %arg4[%add3A_98] : memref<4000000xi32, #tpu.memory_space<hbm>> -> memref<20000xi32, #tpu.memory_space<hbm>>
      tpu.enqueue_dma source(%dma_start3A_100 : memref<20000xi32, #tpu.memory_space<hbm>>) target(%arg9 : memref<20000xi32, #tpu.memory_space<vmem>>) target_semaphore(%arg14 : memref<!tpu.dma_semaphore, #tpu.memory_space<semaphore_mem>>)
      %dma_wait3A = tpu.memref_slice %arg2[%add3A_93] : memref<2560000xf32, #tpu.memory_space<hbm>> -> memref<20000xf32, #tpu.memory_space<hbm>>
      %dma_wait3A_101 = tpu.memref_slice %arg2[%add3A_93] : memref<2560000xf32, #tpu.memory_space<hbm>> -> memref<20000xf32, #tpu.memory_space<hbm>>
      tpu.wait_dma2 semaphore(%arg12 : memref<!tpu.dma_semaphore, #tpu.memory_space<semaphore_mem>>) src(%dma_wait3A_101 : memref<20000xf32, #tpu.memory_space<hbm>>) dst(%arg7 : memref<20000xf32, #tpu.memory_space<vmem>>)
      %dma_wait3A_102 = tpu.memref_slice %arg3[%add3A_93] : memref<2560000xf32, #tpu.memory_space<hbm>> -> memref<20000xf32, #tpu.memory_space<hbm>>
      %dma_wait3A_103 = tpu.memref_slice %arg3[%add3A_93] : memref<2560000xf32, #tpu.memory_space<hbm>> -> memref<20000xf32, #tpu.memory_space<hbm>>
      tpu.wait_dma2 semaphore(%arg13 : memref<!tpu.dma_semaphore, #tpu.memory_space<semaphore_mem>>) src(%dma_wait3A_103 : memref<20000xf32, #tpu.memory_space<hbm>>) dst(%arg8 : memref<20000xf32, #tpu.memory_space<vmem>>)
      %dma_wait3A_104 = tpu.memref_slice %arg4[%add3A_98] : memref<4000000xi32, #tpu.memory_space<hbm>> -> memref<20000xi32, #tpu.memory_space<hbm>>
      %dma_wait3A_105 = tpu.memref_slice %arg4[%add3A_98] : memref<4000000xi32, #tpu.memory_space<hbm>> -> memref<20000xi32, #tpu.memory_space<hbm>>
      tpu.wait_dma2 semaphore(%arg14 : memref<!tpu.dma_semaphore, #tpu.memory_space<semaphore_mem>>) src(%dma_wait3A_105 : memref<20000xi32, #tpu.memory_space<hbm>>) dst(%arg9 : memref<20000xi32, #tpu.memory_space<vmem>>)
      %parallel_loop3A = arith.constant 0 : i32
      %parallel_loop3A_106 = arith.constant 1250 : i32
      %parallel_loop3A_107 = arith.constant 1 : i32
      scf.for %parallel_loop3A_108 = %parallel_loop3A to %parallel_loop3A_106 step %parallel_loop3A_107  : i32 {
        %parallel_loop3A_109 = arith.constant 16 : i32
        %parallel_loop3A_110 = arith.muli %parallel_loop3A_108, %parallel_loop3A_109 : i32
        %parallel_loop3A_111 = arith.index_cast %parallel_loop3A_110 : i32 to index
        %parallel_loop3A_112 = tpu.vector_load %arg9[%parallel_loop3A_111] {strides = array<i32>} : memref<20000xi32, #tpu.memory_space<vmem>>, vector<16xi32>,
        %parallel_loop3A_113 = arith.index_cast %parallel_loop3A_110 : i32 to index
        %parallel_loop3A_114 = tpu.vector_load %arg7[%parallel_loop3A_113] {strides = array<i32>} : memref<20000xf32, #tpu.memory_space<vmem>>, vector<16xf32>,
        %parallel_loop3A_115 = arith.constant 0 : i32
        %parallel_loop3A_116 = vector.broadcast %parallel_loop3A_115 : i32 to vector<16xi32>
        %parallel_loop3A_117 = arith.cmpi eq, %parallel_loop3A_112, %parallel_loop3A_116 : vector<16xi32>
        %parallel_loop3A_118 = arith.constant 0.000000e+00 : f32
        %parallel_loop3A_119 = vector.broadcast %parallel_loop3A_118 : f32 to vector<16xf32>
        %parallel_loop3A_120 = arith.cmpf oge, %parallel_loop3A_114, %parallel_loop3A_119 : vector<16xf32>
        %parallel_loop3A_121 = arith.xori %parallel_loop3A_120, %parallel_loop3A_117 : vector<16xi1>
        %parallel_loop3A_122 = math.absf %parallel_loop3A_114 : vector<16xf32>
        %parallel_loop3A_123 = arith.constant 0.000000e+00 : f32
        %parallel_loop3A_124 = vector.broadcast %parallel_loop3A_123 : f32 to vector<16xf32>
        %parallel_loop3A_125 = arith.subf %parallel_loop3A_124, %parallel_loop3A_122 : vector<16xf32>
        %parallel_loop3A_126 = math.exp %parallel_loop3A_125 : vector<16xf32>
        %parallel_loop3A_127 = arith.constant 1.000000e+00 : f32
        %parallel_loop3A_128 = vector.broadcast %parallel_loop3A_127 : f32 to vector<16xf32>
        %parallel_loop3A_129 = arith.addf %parallel_loop3A_128, %parallel_loop3A_126 : vector<16xf32>
        %parallel_loop3A_130 = arith.constant 1.000000e+00 : f32
        %parallel_loop3A_131 = vector.broadcast %parallel_loop3A_130 : f32 to vector<16xf32>
        %parallel_loop3A_132 = arith.divf %parallel_loop3A_131, %parallel_loop3A_129 : vector<16xf32>
        %parallel_loop3A_133 = arith.mulf %parallel_loop3A_126, %parallel_loop3A_132 : vector<16xf32>
        %parallel_loop3A_134 = arith.select %parallel_loop3A_121, %parallel_loop3A_132, %parallel_loop3A_133 : vector<16xi1>, vector<16xf32>
        %parallel_loop3A_135 = arith.constant 1.000000e+01 : f32
        %parallel_loop3A_136 = vector.broadcast %parallel_loop3A_135 : f32 to vector<16xf32>
        %parallel_loop3A_137 = arith.mulf %parallel_loop3A_134, %parallel_loop3A_136 : vector<16xf32>
        %parallel_loop3A_138 = arith.fptosi %parallel_loop3A_137 : vector<16xf32> to vector<16xi32>
        %parallel_loop3A_139 = arith.constant 9 : i32
        %parallel_loop3A_140 = vector.broadcast %parallel_loop3A_139 : i32 to vector<16xi32>
        %parallel_loop3A_141 = arith.minsi %parallel_loop3A_138, %parallel_loop3A_140 : vector<16xi32>
        %parallel_loop3A_142 = arith.constant 2.000000e+00 : f32
        %parallel_loop3A_143 = vector.broadcast %parallel_loop3A_142 : f32 to vector<16xf32>
        %parallel_loop3A_144 = arith.addf %parallel_loop3A_126, %parallel_loop3A_143 : vector<16xf32>
        %parallel_loop3A_145 = arith.divf %parallel_loop3A_126, %parallel_loop3A_144 : vector<16xf32>
        %parallel_loop3A_146 = arith.mulf %parallel_loop3A_145, %parallel_loop3A_145 : vector<16xf32>
        %parallel_loop3A_147 = arith.constant 0.285714298 : f32
        %parallel_loop3A_148 = vector.broadcast %parallel_loop3A_147 : f32 to vector<16xf32>
        %parallel_loop3A_149 = arith.mulf %parallel_loop3A_146, %parallel_loop3A_148 : vector<16xf32>
        %parallel_loop3A_150 = arith.constant 4.000000e-01 : f32
        %parallel_loop3A_151 = vector.broadcast %parallel_loop3A_150 : f32 to vector<16xf32>
        %parallel_loop3A_152 = arith.addf %parallel_loop3A_151, %parallel_loop3A_149 : vector<16xf32>
        %parallel_loop3A_153 = arith.mulf %parallel_loop3A_146, %parallel_loop3A_152 : vector<16xf32>
        %parallel_loop3A_154 = arith.constant 0.666666686 : f32
        %parallel_loop3A_155 = vector.broadcast %parallel_loop3A_154 : f32 to vector<16xf32>
        %parallel_loop3A_156 = arith.addf %parallel_loop3A_155, %parallel_loop3A_153 : vector<16xf32>
        %parallel_loop3A_157 = arith.mulf %parallel_loop3A_146, %parallel_loop3A_156 : vector<16xf32>
        %parallel_loop3A_158 = arith.constant 2.000000e+00 : f32
        %parallel_loop3A_159 = vector.broadcast %parallel_loop3A_158 : f32 to vector<16xf32>
        %parallel_loop3A_160 = arith.addf %parallel_loop3A_159, %parallel_loop3A_157 : vector<16xf32>
        %parallel_loop3A_161 = arith.mulf %parallel_loop3A_145, %parallel_loop3A_160 : vector<16xf32>
        %parallel_loop3A_162 = arith.constant 0.000000e+00 : f32
        %parallel_loop3A_163 = vector.broadcast %parallel_loop3A_162 : f32 to vector<16xf32>
        %parallel_loop3A_164 = arith.select %parallel_loop3A_121, %parallel_loop3A_122, %parallel_loop3A_163 : vector<16xi1>, vector<16xf32>
        %parallel_loop3A_165 = arith.addf %parallel_loop3A_164, %parallel_loop3A_161 : vector<16xf32>
        tpu.vector_store_idx %arg10[%parallel_loop3A_141, %iota3A], %broadcast_in_dim3A_3 {add = true} : memref<10x16xf32, #tpu.memory_space<vmem>>[vector<16xi32>, vector<16xi32>], vector<16xf32>,
        tpu.vector_store_idx %arg11[%parallel_loop3A_141, %iota3A], %parallel_loop3A_165 {add = true} : memref<10x16xf32, #tpu.memory_space<vmem>>[vector<16xi32>, vector<16xi32>], vector<16xf32>,
        %parallel_loop3A_166 = arith.index_cast %parallel_loop3A_110 : i32 to index
        %parallel_loop3A_167 = tpu.vector_load %arg8[%parallel_loop3A_166] {strides = array<i32>} : memref<20000xf32, #tpu.memory_space<vmem>>, vector<16xf32>,
        %parallel_loop3A_168 = arith.constant 1 : i32
        %parallel_loop3A_169 = vector.broadcast %parallel_loop3A_168 : i32 to vector<16xi32>
        %parallel_loop3A_170 = arith.cmpi eq, %parallel_loop3A_112, %parallel_loop3A_169 : vector<16xi32>
        %parallel_loop3A_171 = arith.constant 0.000000e+00 : f32
        %parallel_loop3A_172 = vector.broadcast %parallel_loop3A_171 : f32 to vector<16xf32>
        %parallel_loop3A_173 = arith.cmpf oge, %parallel_loop3A_167, %parallel_loop3A_172 : vector<16xf32>
        %parallel_loop3A_174 = arith.xori %parallel_loop3A_173, %parallel_loop3A_170 : vector<16xi1>
        %parallel_loop3A_175 = math.absf %parallel_loop3A_167 : vector<16xf32>
        %parallel_loop3A_176 = arith.constant 0.000000e+00 : f32
        %parallel_loop3A_177 = vector.broadcast %parallel_loop3A_176 : f32 to vector<16xf32>
        %parallel_loop3A_178 = arith.subf %parallel_loop3A_177, %parallel_loop3A_175 : vector<16xf32>
        %parallel_loop3A_179 = math.exp %parallel_loop3A_178 : vector<16xf32>
        %parallel_loop3A_180 = arith.constant 1.000000e+00 : f32
        %parallel_loop3A_181 = vector.broadcast %parallel_loop3A_180 : f32 to vector<16xf32>
        %parallel_loop3A_182 = arith.addf %parallel_loop3A_181, %parallel_loop3A_179 : vector<16xf32>
        %parallel_loop3A_183 = arith.constant 1.000000e+00 : f32
        %parallel_loop3A_184 = vector.broadcast %parallel_loop3A_183 : f32 to vector<16xf32>
        %parallel_loop3A_185 = arith.divf %parallel_loop3A_184, %parallel_loop3A_182 : vector<16xf32>
        %parallel_loop3A_186 = arith.mulf %parallel_loop3A_179, %parallel_loop3A_185 : vector<16xf32>
        %parallel_loop3A_187 = arith.select %parallel_loop3A_174, %parallel_loop3A_185, %parallel_loop3A_186 : vector<16xi1>, vector<16xf32>
        %parallel_loop3A_188 = arith.constant 1.000000e+01 : f32
        %parallel_loop3A_189 = vector.broadcast %parallel_loop3A_188 : f32 to vector<16xf32>
        %parallel_loop3A_190 = arith.mulf %parallel_loop3A_187, %parallel_loop3A_189 : vector<16xf32>
        %parallel_loop3A_191 = arith.fptosi %parallel_loop3A_190 : vector<16xf32> to vector<16xi32>
        %parallel_loop3A_192 = arith.constant 9 : i32
        %parallel_loop3A_193 = vector.broadcast %parallel_loop3A_192 : i32 to vector<16xi32>
        %parallel_loop3A_194 = arith.minsi %parallel_loop3A_191, %parallel_loop3A_193 : vector<16xi32>
        %parallel_loop3A_195 = arith.constant 2.000000e+00 : f32
        %parallel_loop3A_196 = vector.broadcast %parallel_loop3A_195 : f32 to vector<16xf32>
        %parallel_loop3A_197 = arith.addf %parallel_loop3A_179, %parallel_loop3A_196 : vector<16xf32>
        %parallel_loop3A_198 = arith.divf %parallel_loop3A_179, %parallel_loop3A_197 : vector<16xf32>
        %parallel_loop3A_199 = arith.mulf %parallel_loop3A_198, %parallel_loop3A_198 : vector<16xf32>
        %parallel_loop3A_200 = arith.constant 0.285714298 : f32
        %parallel_loop3A_201 = vector.broadcast %parallel_loop3A_200 : f32 to vector<16xf32>
        %parallel_loop3A_202 = arith.mulf %parallel_loop3A_199, %parallel_loop3A_201 : vector<16xf32>
        %parallel_loop3A_203 = arith.constant 4.000000e-01 : f32
        %parallel_loop3A_204 = vector.broadcast %parallel_loop3A_203 : f32 to vector<16xf32>
        %parallel_loop3A_205 = arith.addf %parallel_loop3A_204, %parallel_loop3A_202 : vector<16xf32>
        %parallel_loop3A_206 = arith.mulf %parallel_loop3A_199, %parallel_loop3A_205 : vector<16xf32>
        %parallel_loop3A_207 = arith.constant 0.666666686 : f32
        %parallel_loop3A_208 = vector.broadcast %parallel_loop3A_207 : f32 to vector<16xf32>
        %parallel_loop3A_209 = arith.addf %parallel_loop3A_208, %parallel_loop3A_206 : vector<16xf32>
        %parallel_loop3A_210 = arith.mulf %parallel_loop3A_199, %parallel_loop3A_209 : vector<16xf32>
        %parallel_loop3A_211 = arith.constant 2.000000e+00 : f32
        %parallel_loop3A_212 = vector.broadcast %parallel_loop3A_211 : f32 to vector<16xf32>
        %parallel_loop3A_213 = arith.addf %parallel_loop3A_212, %parallel_loop3A_210 : vector<16xf32>
        %parallel_loop3A_214 = arith.mulf %parallel_loop3A_198, %parallel_loop3A_213 : vector<16xf32>
        %parallel_loop3A_215 = arith.constant 0.000000e+00 : f32
        %parallel_loop3A_216 = vector.broadcast %parallel_loop3A_215 : f32 to vector<16xf32>
        %parallel_loop3A_217 = arith.select %parallel_loop3A_174, %parallel_loop3A_175, %parallel_loop3A_216 : vector<16xi1>, vector<16xf32>
        %parallel_loop3A_218 = arith.addf %parallel_loop3A_217, %parallel_loop3A_214 : vector<16xf32>
        tpu.vector_store_idx %arg10[%parallel_loop3A_194, %iota3A], %broadcast_in_dim3A_3 {add = true} : memref<10x16xf32, #tpu.memory_space<vmem>>[vector<16xi32>, vector<16xi32>], vector<16xf32>,
        tpu.vector_store_idx %arg11[%parallel_loop3A_194, %iota3A], %parallel_loop3A_218 {add = true} : memref<10x16xf32, #tpu.memory_space<vmem>>[vector<16xi32>, vector<16xi32>], vector<16xf32>,
      } {sc.loop_unroll_factor = 4 : i64, sc.parallel_access}
    }
    %scan3A_89 = arith.constant 4 : i32
    "tpu.region"() ({
      %run_scoped3A = tpu.sem_alloc : memref<!tpu.dma_semaphore, #tpu.memory_space<semaphore_mem>>
      %dma_start3A = arith.constant 0 : i32
      %dma_start3A_90 = arith.constant 0 : i32
      %dma_start3A_91 = tpu.memref_slice %arg5[%add3A, %dma_start3A, %dma_start3A_90] : memref<32x10x16xf32, #tpu.memory_space<hbm>> -> memref<1x10x16xf32, #tpu.memory_space<hbm>>
      %dma_start3A_92 = tpu.memref_squeeze %dma_start3A_91 : memref<1x10x16xf32, #tpu.memory_space<hbm>> -> memref<10x16xf32, #tpu.memory_space<hbm>>
      %dma_start3A_93 = arith.constant 0 : i32
      %dma_start3A_94 = arith.constant 0 : i32
      %dma_start3A_95 = tpu.memref_slice %arg5[%add3A, %dma_start3A_93, %dma_start3A_94] : memref<32x10x16xf32, #tpu.memory_space<hbm>> -> memref<1x10x16xf32, #tpu.memory_space<hbm>>
      %dma_start3A_96 = tpu.memref_squeeze %dma_start3A_95 : memref<1x10x16xf32, #tpu.memory_space<hbm>> -> memref<10x16xf32, #tpu.memory_space<hbm>>
      tpu.enqueue_dma source(%arg10 : memref<10x16xf32, #tpu.memory_space<vmem>>) target(%dma_start3A_96 : memref<10x16xf32, #tpu.memory_space<hbm>>) target_semaphore(%run_scoped3A : memref<!tpu.dma_semaphore, #tpu.memory_space<semaphore_mem>>)
      %dma_wait3A = arith.constant 0 : i32
      %dma_wait3A_97 = arith.constant 0 : i32
      %dma_wait3A_98 = tpu.memref_slice %arg5[%add3A, %dma_wait3A, %dma_wait3A_97] : memref<32x10x16xf32, #tpu.memory_space<hbm>> -> memref<1x10x16xf32, #tpu.memory_space<hbm>>
      %dma_wait3A_99 = tpu.memref_squeeze %dma_wait3A_98 : memref<1x10x16xf32, #tpu.memory_space<hbm>> -> memref<10x16xf32, #tpu.memory_space<hbm>>
      %dma_wait3A_100 = arith.constant 0 : i32
      %dma_wait3A_101 = arith.constant 0 : i32
      %dma_wait3A_102 = tpu.memref_slice %arg5[%add3A, %dma_wait3A_100, %dma_wait3A_101] : memref<32x10x16xf32, #tpu.memory_space<hbm>> -> memref<1x10x16xf32, #tpu.memory_space<hbm>>
      %dma_wait3A_103 = tpu.memref_squeeze %dma_wait3A_102 : memref<1x10x16xf32, #tpu.memory_space<hbm>> -> memref<10x16xf32, #tpu.memory_space<hbm>>
      tpu.wait_dma2 semaphore(%run_scoped3A : memref<!tpu.dma_semaphore, #tpu.memory_space<semaphore_mem>>) src(%arg10 : memref<10x16xf32, #tpu.memory_space<vmem>>) dst(%dma_wait3A_103 : memref<10x16xf32, #tpu.memory_space<hbm>>)
      tpu.yield
    }) : () -> ()
    "tpu.region"() ({
      %run_scoped3A = tpu.sem_alloc : memref<!tpu.dma_semaphore, #tpu.memory_space<semaphore_mem>>
      %dma_start3A = arith.constant 0 : i32
      %dma_start3A_90 = arith.constant 0 : i32
      %dma_start3A_91 = tpu.memref_slice %arg6[%add3A, %dma_start3A, %dma_start3A_90] : memref<32x10x16xf32, #tpu.memory_space<hbm>> -> memref<1x10x16xf32, #tpu.memory_space<hbm>>
      %dma_start3A_92 = tpu.memref_squeeze %dma_start3A_91 : memref<1x10x16xf32, #tpu.memory_space<hbm>> -> memref<10x16xf32, #tpu.memory_space<hbm>>
      %dma_start3A_93 = arith.constant 0 : i32
      %dma_start3A_94 = arith.constant 0 : i32
      %dma_start3A_95 = tpu.memref_slice %arg6[%add3A, %dma_start3A_93, %dma_start3A_94] : memref<32x10x16xf32, #tpu.memory_space<hbm>> -> memref<1x10x16xf32, #tpu.memory_space<hbm>>
      %dma_start3A_96 = tpu.memref_squeeze %dma_start3A_95 : memref<1x10x16xf32, #tpu.memory_space<hbm>> -> memref<10x16xf32, #tpu.memory_space<hbm>>
      tpu.enqueue_dma source(%arg11 : memref<10x16xf32, #tpu.memory_space<vmem>>) target(%dma_start3A_96 : memref<10x16xf32, #tpu.memory_space<hbm>>) target_semaphore(%run_scoped3A : memref<!tpu.dma_semaphore, #tpu.memory_space<semaphore_mem>>)
      %dma_wait3A = arith.constant 0 : i32
      %dma_wait3A_97 = arith.constant 0 : i32
      %dma_wait3A_98 = tpu.memref_slice %arg6[%add3A, %dma_wait3A, %dma_wait3A_97] : memref<32x10x16xf32, #tpu.memory_space<hbm>> -> memref<1x10x16xf32, #tpu.memory_space<hbm>>
      %dma_wait3A_99 = tpu.memref_squeeze %dma_wait3A_98 : memref<1x10x16xf32, #tpu.memory_space<hbm>> -> memref<10x16xf32, #tpu.memory_space<hbm>>
      %dma_wait3A_100 = arith.constant 0 : i32
      %dma_wait3A_101 = arith.constant 0 : i32
      %dma_wait3A_102 = tpu.memref_slice %arg6[%add3A, %dma_wait3A_100, %dma_wait3A_101] : memref<32x10x16xf32, #tpu.memory_space<hbm>> -> memref<1x10x16xf32, #tpu.memory_space<hbm>>
      %dma_wait3A_103 = tpu.memref_squeeze %dma_wait3A_102 : memref<1x10x16xf32, #tpu.memory_space<hbm>> -> memref<10x16xf32, #tpu.memory_space<hbm>>
      tpu.wait_dma2 semaphore(%run_scoped3A : memref<!tpu.dma_semaphore, #tpu.memory_space<semaphore_mem>>) src(%arg11 : memref<10x16xf32, #tpu.memory_space<vmem>>) dst(%dma_wait3A_103 : memref<10x16xf32, #tpu.memory_space<hbm>>)
      tpu.yield
    }) : () -> ()
    return
  }
}

</mosaic_0001>

<sc_bundles>
// kernel: _sc_hist.3.cloned.1.call-start
scs
__scs_entry_jumppad:
0x0: {  	(pc) =	sbr.rel $0x88, $3  }
0x1: {  	(tag) =	ssettag $0x0;
	lr =	simm.s32 $0x1  }
0x2: {  	[smem:$0x3F9E] =	sst lr;
	_ =	strace $0xD0000000  }
0x3: {  	_ = 	snop  }
0x4: {  	_ = 	snop  }
0x5: {  	_ = 	snop  }
0x6: {  	_ = 	snop  }
0x7: {  	_ = 	snop  }
__scs_overlays_trampoline_lowered:
0x8: {  	[smem:$0x3FAD] =	sst s0  }
0x9: {  	[smem:$0x3FAE] =	sst s1  }
0xa: {  	[smem:$0x3FAF] =	sst s2  }
0xb: {  	[smem:$0x3FB0] =	sst s3  }
0xc: {  	[smem:$0x3FB1] =	sst s4  }
0xd: {  	[smem:$0x3FB2] =	sst s5  }
0xe: {  	[smem:$0x3FB3] =	sst s6  }
0xf: {  	[smem:$0x3FB4] =	sst s7  }
0x10: {  	[smem:$0x3FB5] =	sst s8  }
0x11: {  	[smem:$0x3FB6] =	sst s9;
	s0 =	simm.s32 @!p0 $0x0  }
0x12: {  	s1 =	sld [smem:$0x3F9C];
	s0 =	simm.s32 @p0 $0x1  }
0x13: {  	[smem:$0x3FB7] =	sst s0;
	s0 =	simm.s32 @!p1 $0x0  }
0x14: {  	s2 =	sld [smem:$0x3F9B];
	s0 =	simm.s32 @p1 $0x1  }
0x15: {  	[smem:$0x3FB8] =	sst s0;
	s0 =	simm.s32 @!p2 $0x0  }
0x16: {  	s3 =	sld [smem:$0x3FDB];
	s0 =	simm.s32 @p2 $0x1  }
0x17: {  	s4 =	simm.s32 $0x1BF5;
	[smem:$0x3FBA] =	sst s0  }
0x18: {  	s0 =	sld [smem:$0x3F9D];
	_ =	swait.ge [sflag:s4], $0x0  }
0x19: {  	s7 =	sld [smem:$0x3F9E]  }
0x1a: {  	s8 =	sadd.s32 $0xFFFFE003, lr  }
0x1b: {  	s9 =	sadd.s32 $0xFFFFFEF7, lr;
	s5 =	simm.s32 $0xFFFFFFFF;
	p2 =	slt.u32 s8, $0xFFFFF086  }
0x1c: {  	p1 =	slt.u32 s9, $0xF7A;
	s5 =	simm.s32 @!p2 $0x0  }
0x1d: {  	s5 =	simm.s32 @p1 $0x1;
	p0 =	seq.s32 s7, s2  }
0x1e: {  	s7 =	smul.u32 @!p0 $0xF7A, s2;
	p2 =	seq.s32 @!p0 s5, $0x0  }
0x1f: {  	s9 =	smul.u32 $0xF7A, s1;
	s8 =	simm.s32 @!p0 $0x1BF5;
	p2 =	por !p2, p0  }
0x20: {  	[sflag:s8] =	ssyncset.s32 @!p0 $0xFFFFF086;
	s6 =	sadd.s32 @!p0 s3, s7;
	s7 =	simm.s32 @!p0 $0x108  }
0x21: {  	s3 =	sadd.s32 s3, s9;
	s6 =	sadd.s32 @!p0 $0x88, s6;
	s7 =	simm.s32 @p2 $0x1082  }
0x22: {  	[simem:s7], [sflag:s8] =	dma.local @!p0 [hbm:s6], $0xF7A  }
0x23: {  	s9 =	sor.u32 $0xD0000000, s2;
	s6 =	simm.s32 $0x108;
	_ =	swait.ge @!p0 [sflag:s8], $0x0  }
0x24: {  	s3 =	sadd.s32 $0x88, s3;
	s6 =	simm.s32 @!p1 $0x1082;
	[sflag:s4] =	ssyncset.s32 $0xFFFFF086  }
0x25: {  	[simem:s6], [sflag:s4] =	dma.local [hbm:s3], $0xF7A  }
0x26: {  	[smem:$0x3F9E] =	sst s1;
	(tag) =	ssettag s2;
	_ =	strace s9  }
0x27: {  	s1 =	sld [smem:$0x3FAE]  }
0x28: {  	s2 =	sld [smem:$0x3FAF]  }
0x29: {  	s4 =	sld [smem:$0x3FB1]  }
0x2a: {  	p0 =	seq.s32 s5, $0x0;
	s5 =	sld [smem:$0x3FB2]  }
0x2b: {  	s6 =	sld [smem:$0x3FB3]  }
0x2c: {  	s7 =	sld [smem:$0x3FB4]  }
0x2d: {  	s3 =	simm.s32 $0x108;
	s8 =	sld [smem:$0x3FB5]  }
0x2e: {  	s3 =	simm.s32 @!p0 $0x1082;
	s9 =	sld [smem:$0x3FB6]  }
0x2f: {  	lr =	sadd.s32 s0, s3;
	s0 =	sld [smem:$0x3FAD]  }
0x30: {  	s3 =	sld [smem:$0x3FB0]  }
0x31: {  	[smem:$0x3FB9] =	sst s10  }
0x32: {  	s10 =	sld [smem:$0x3FB7];
	_ =	sdelay $0x3  }
0x33: {  	p0 =	seq.s32 s10, $0x1;
	s10 =	sld [smem:$0x3FB9];
	_ =	sdelay $0x3  }
0x34: {  	[smem:$0x3FB9] =	sst s10  }
0x35: {  	s10 =	sld [smem:$0x3FB8];
	_ =	sdelay $0x3  }
0x36: {  	p1 =	seq.s32 s10, $0x1;
	s10 =	sld [smem:$0x3FB9];
	_ =	sdelay $0x3  }
0x37: {  	[smem:$0x3FB9] =	sst s10  }
0x38: {  	s10 =	sld [smem:$0x3FBA]  }
0x39: {  	_ = 	snop;
	(pc) =	sbr.ind lr, $3  }
0x3a: {  	_ = 	snop  }
0x3b: {  	_ = 	snop  }
0x3c: {  	p2 =	seq.s32 s10, $0x1;
	s10 =	sld [smem:$0x3FB9]  }
0x3d: {  	_ =	shalt  }
0x3e: {  	_ =	shalt  }
0x3f: {  	_ =	shalt  }
0x40: {  	_ =	shalt  }
0x41: {  	_ =	shalt  }
0x42: {  	_ =	shalt  }
0x43: {  	_ =	shalt  }
0x44: {  	_ =	shalt  }
0x45: {  	_ =	shalt  }
0x46: {  	_ =	shalt  }
0x47: {  	_ =	shalt  }
0x48: {  	_ =	shalt  }
0x49: {  	_ =	shalt  }
0x4a: {  	_ =	shalt  }
0x4b: {  	_ =	shalt  }
0x4c: {  	_ =	shalt  }
0x4d: {  	_ =	shalt  }
0x4e: {  	_ =	shalt  }
0x4f: {  	_ =	shalt  }
0x50: {  	_ =	shalt  }
0x51: {  	_ =	shalt  }
0x52: {  	_ =	shalt  }
0x53: {  	_ =	shalt  }
0x54: {  	_ =	shalt  }
0x55: {  	_ =	shalt  }
0x56: {  	_ =	shalt  }
0x57: {  	_ =	shalt  }
0x58: {  	_ =	shalt  }
0x59: {  	_ =	shalt  }
0x5a: {  	_ =	shalt  }
0x5b: {  	_ =	shalt  }
0x5c: {  	_ =	shalt  }
0x5d: {  	_ =	shalt  }
0x5e: {  	_ =	shalt  }
0x5f: {  	_ =	shalt  }
0x60: {  	_ =	shalt  }
0x61: {  	_ =	shalt  }
0x62: {  	_ =	shalt  }
0x63: {  	_ =	shalt  }
0x64: {  	_ =	shalt  }
0x65: {  	_ =	shalt  }
0x66: {  	_ =	shalt  }
0x67: {  	_ =	shalt  }
0x68: {  	_ =	shalt  }
0x69: {  	_ =	shalt  }
0x6a: {  	_ =	shalt  }
0x6b: {  	_ =	shalt  }
0x6c: {  	_ =	shalt  }
0x6d: {  	_ =	shalt  }
0x6e: {  	_ =	shalt  }
0x6f: {  	_ =	shalt  }
0x70: {  	_ =	shalt  }
0x71: {  	_ =	shalt  }
0x72: {  	_ =	shalt  }
0x73: {  	_ =	shalt  }
0x74: {  	_ =	shalt  }
0x75: {  	_ =	shalt  }
0x76: {  	_ =	shalt  }
0x77: {  	_ =	shalt  }
0x78: {  	_ =	shalt  }
0x79: {  	_ =	shalt  }
0x7a: {  	_ =	shalt  }
0x7b: {  	_ =	shalt  }
0x7c: {  	_ =	shalt  }
0x7d: {  	_ =	shalt  }
0x7e: {  	_ =	shalt  }
0x7f: {  	_ =	shalt  }
0x80: {  	_ =	shalt  }
0x81: {  	_ =	shalt  }
0x82: {  	_ =	shalt  }
0x83: {  	_ =	shalt  }
0x84: {  	_ =	shalt  }
0x85: {  	_ =	shalt  }
0x86: {  	_ =	shalt  }
0x87: {  	_ =	shalt  }
.Lfunc_end0:
.L_simem_size_0:
called_computation_lowered:
.L_overlay_start_0:
0x88: {  	s2 =	sld [smem:$0x3FD9]  }
0x89: {  	s3 =	sld [smem:$0x3FFE];
	_ =	sdelay $0x1  }
0x8a: {  	s1 =	srdreg.scid  }
0x8b: {  	s0 =	sand.u32 $0x1, s1  }
0x8c: {  	s17 =	sshll.u32 s0, $0xA;
	s2 =	sadd.s32 s3, s2  }
0x8d: {  	s2 =	sadd.s32 s2, s17  }
0x8e: {  	[smem:$0x3FC5] =	sst s2  }
0x8f: {  	_ = 	snop  }
0x90: {  	s2 =	sld [smem:$0x3FC9]  }
0x91: {  	s18 =	sld [smem:$0x3FC8]  }
0x92: {  	s4 =	sld [smem:$0x3FC7];
	(tm) =	ssettm $0x1  }
0x93: {  	s5 =	sld [smem:$0x3FFB];
	_ =	sdelay $0x3  }
0x94: {  	_ =	strace s5  }
0x95: {  	s5 =	sld [smem:$0x3FFC];
	_ =	sdelay $0x3  }
0x96: {  	_ =	strace s5  }
0x97: {  	s5 =	sld [smem:$0x3FFD];
	_ =	sdelay $0x3  }
0x98: {  	_ =	strace s5  }
0x99: {  	_ =	strace $0x8FFFFFFF  }
0x9a: {  	s19 =	sld [smem:$0x3FDB];
	_ =	sdelay $0x1  }
0x9b: {  	s6 =	simm.s32 $_scs_section_size  }
0x9c: {  	s7 =	simm.s32 $_size__tile_overlayer_lowered;
	s8 =	simm.s32 $_tile_overlayer_lowered  }
0x9d: {  	s22 =	simm.s32 $0x1BFF;
	s21 =	sshll.u32 s8, $0x1;
	s5 =	sadd.s32 s6, s19  }
0x9e: {  	s9 =	simm.s32 $0x0;
	s20 =	sshll.u32 s7, $0x1;
	s7 =	sadd.s32 s21, s5  }
0x9f: {  	[timem:s9], [sflag:s22] =	dma.local [hbm:s7], s20  }
0xa0: {  	_ =	swait.ge [sflag:s22], s20  }
0xa1: {  	s6 =	ssub.s32 $0x0, s20;
	[sflag:s22] =	ssyncset.done $0x0  }
0xa2: {  	[sflag:s22] =	ssyncadd.s32 s6;
	_ =	sdelay $0x1  }
0xa3: {  	s23 =	simm.s32 $0x1B8B  }
0xa4: {  	_ =	swait.ge [sflag:s23], $0x1  }
0xa5: {  	[sflag:s23] =	ssyncset.done $0x0  }
0xa6: {  	s25 =	simm.s32 $0x1B8E;
	s24 =	sld [smem:$0x3FFE];
	[sflag:s23] =	ssyncadd.s32 $0xFFFFFFFF  }
0xa7: {  	s26 =	simm.s32 $execute0_lowered;
	[smem:$0x3FD2] =	sst s25  }
0xa8: {  	s7 =	sshll.u32 s26, $0x1;
	_ =	strace $0x80000046;
	[dreg:$0x1] =	wrdreg $0xFFFFFFFF  }
0xa9: {  	s28 =	simm.s32 $_size_execute0_lowered;
	s5 =	sadd.s32 s5, s7;
	[dreg:$0x0] =	wrdreg $0x0  }
0xaa: {  	s7 =	sshll.u32 s28, $0x1;
	[dreg:$0x2] =	wrdreg s5  }
0xab: {  	[dreg:$0x3] =	wrdreg s7  }
0xac: {  	[dreg:$0x4] =	wrdreg $0xC0  }
0xad: {  	_ =	task [dreg:s9], $0x5FFFF  }
0xae: {  	[dreg:$0x1] =	wrdreg $0xFFFFFFFF  }
0xaf: {  	[dreg:$0x0] =	wrdreg $0x60  }
0xb0: {  	[dreg:$0x2] =	wrdreg s2  }
0xb1: {  	[dreg:$0x3] =	wrdreg s18  }
0xb2: {  	[dreg:$0x4] =	wrdreg s4  }
0xb3: {  	[dreg:$0x5] =	wrdreg s24  }
0xb4: {  	[dreg:$0x6] =	wrdreg $0x9  }
0xb5: {  	_ =	task.clear_ibuf [dreg:s9], $0x7FFFF;
	_ =	strace $0x90000046  }
0xb6: {  	s29 =	simm.s32 $0x9;
	_ =	strace $0x80000048  }
0xb7: {  	_ =	swait.ge [sflag:s29], $0x1  }
0xb8: {  	[sflag:s29] =	ssyncadd.s32 $0xFFFFFFFF  }
0xb9: {  	_ =	strace $0x90000048  }
0xba: {  	_ =	sfence  }
0xbb: {  	s30 =	sld [smem:$0x0];
	_ =	sdelay $0x2  }
0xbc: {  	s31 =	sshll.u32 s1, $0xD;
	s1 =	sshrl.u32 s1, $0x2  }
0xbd: {  	s3 =	sand.u32 $0x4000, s31;
	s1 =	sadd.s32 s1, s30  }
0xbe: {  	s0 =	sor.u32 s3, s0;
	s1 =	sshll.u32 s1, $0x11  }
0xbf: {  	s0 =	sor.u32 s1, s0  }
0xc0: {  	s0 =	sadd.s32 $0x8F2B, s0  }
0xc1: {  	[sflag:s0] =	ssyncadd.remote.s32 $0x1  }
0xc2: {  	_ =	sfence.sel $0xFFFF  }
0xc3: {  	[dreg:$0x0] =	wrdreg $0xFFFFFFFF;
	(pc) =	sbr.abs _section_cstart, $3  }
0xc4: {  	[dreg:$0x1] =	wrdreg $0xFFFFFFFF  }
0xc5: {  	_ =	task.clear_ibuf [dreg:s9], $0x2FFFF;
	_ =	strace $0x9FFFFFFF  }
0xc6: {  	(tm) =	ssettm $0x7FFFFFFF  }
0xc7: {  	_ =	shalt  }
tec
execute0_lowered:
.L_overlay_start_1:
0x0: {  	(tag) =	ssettag $0x1  }
0x1: {  	s1 =	rddreg [dreg:$0x0]  }
0x2: {  	s2 =	rddreg [dreg:$0x1]  }
0x3: {  	s4 =	rddreg [dreg:$0x2]  }
0x4: {  	s6 =	rddreg [dreg:$0x3]  }
0x5: {  	s0 =	rddreg [dreg:$0x4]  }
0x6: {  	s7 =	srdreg.scid;
	s3 =	stileid.u32  }
0x7: {  	s5 =	simm.s32 $0x0;
	s11 =	simm.s32 $0x9D00;
	s12 =	simm.s32 $0x1  }
0x8: {  	s13 =	simm.s32 $0x2;
	s14 =	simm.s32 $0x3;
	s15 =	simm.s32 $0xEB80  }
0x9: {  	s16 =	simm.s32 $0xF380;
	s7 =	sand.u32 $0x1, s7;
	s8 =	sshll.u32 s3, $0x1  }
0xa: {  	s17 =	simm.s32 $0x4;
	s18 =	simm.s32 $0x0;
	s8 =	sor.u32 s7, s8  }
0xb: {  	[smem:$0x7FF] =	sst s5;
	s7 =	ssub.s32 $0x2, s7;
	s9 =	sshll.u32 s8, $0x8  }
0xc: {  	_ =	strace $0x80000047;
	s10 =	sshrl.u32 s7, $0x1;
	s9 =	sadd.s32 s9, s6  }
0xd: {  	s10 =	ssub.s32 s7, s10;
	s6 =	smul.u32 $0x13880, s8;
	s7 =	sadd.s32 $0x800, s9  }
0xe: {  	v0 =	vimm.f32 $0.0e+00;
	v1 =	vimm.f32 $1.000000000e+00;
	v2 =	vlaneseq.u32;
	s8 =	sadd.s32 $0x2800, s9;
	s9 =	smax.u32 s10, $0x1;
	s10 =	simm.s32 $0x4E80  }
.LBB2_1:
0xf: {  	[tilespmem:$0xEB80] =	vst v0  }
0x10: {  	[tilespmem:$0xF380] =	vst v0  }
0x11: {  	[tilespmem:$0xEC00] =	vst v0  }
0x12: {  	[tilespmem:$0xF400] =	vst v0  }
0x13: {  	[tilespmem:$0xEC80] =	vst v0  }
0x14: {  	[tilespmem:$0xF480] =	vst v0  }
0x15: {  	[tilespmem:$0xED00] =	vst v0  }
0x16: {  	[tilespmem:$0xF500] =	vst v0  }
0x17: {  	[tilespmem:$0xED80] =	vst v0  }
0x18: {  	[tilespmem:$0xF580] =	vst v0  }
0x19: {  	[tilespmem:$0xEE00] =	vst v0  }
0x1a: {  	[tilespmem:$0xF600] =	vst v0  }
0x1b: {  	[tilespmem:$0xEE80] =	vst v0  }
0x1c: {  	[tilespmem:$0xF680] =	vst v0  }
0x1d: {  	[tilespmem:$0xEF00] =	vst v0  }
0x1e: {  	[tilespmem:$0xF700] =	vst v0  }
0x1f: {  	[tilespmem:$0xEF80] =	vst v0  }
0x20: {  	[tilespmem:$0xF780] =	vst v0  }
0x21: {  	[tilespmem:$0xF000] =	vst v0  }
0x22: {  	[tilespmem:$0xF800] =	vst v0;
	s19 =	simm.s32 $0x0  }
.LBB2_2:
0x23: {  	s20 =	smul.u32 $0x4E20, s19;
	_ =	sdelay $0x1  }
0x24: {  	s20 =	sadd.s32 s6, s20  }
0x25: {  	s20 =	sshrl.u32 s20, $0x3  }
0x26: {  	s21 =	sadd.s32 s1, s20  }
0x27: {  	[tilespmem:s5], [sflag:$0x1] =	stream.linear.gather [hbm4b:s21+s5], $0x4E20, $0x38;
	[tilespmem:$0xFB80] =	vst v63  }
0x28: {  	s25 =	sadd.s32 s2, s20  }
0x29: {  	[tilespmem:s10], [sflag:$0x2] =	stream.linear.gather [hbm4b:s25+s5], $0x4E20, $0x38;
	[tilespmem:$0xFB80] =	vst v63  }
0x2a: {  	s20 =	sadd.s32 s4, s20  }
0x2b: {  	[tilespmem:s11], [sflag:$0x3] =	stream.linear.gather [hbm4b:s20+s5], $0x4E20, $0x38;
	[tilespmem:$0xFB80] =	vst v63  }
0x2c: {  	_ =	swait.ge [sflag:s12], $0x4E20  }
0x2d: {  	[sflag:s12] =	ssyncset.done $0x0  }
0x2e: {  	[sflag:s12] =	ssyncadd.s32 $0xFFFFB1E0  }
0x2f: {  	_ =	swait.ge [sflag:s13], $0x4E20  }
0x30: {  	[sflag:s13] =	ssyncset.done $0x0  }
0x31: {  	[sflag:s13] =	ssyncadd.s32 $0xFFFFB1E0  }
0x32: {  	_ =	swait.ge [sflag:s14], $0x4E20  }
0x33: {  	[sflag:s14] =	ssyncset.done $0x0  }
0x34: {  	s26 =	simm.s32 $0x20;
	[sflag:s14] =	ssyncadd.s32 $0xFFFFB1E0  }
0x35: {  	v5 =	vld [tilespmem:s26+$0x0];
	_ =	sdelay $0x1  }
0x36: {  	v6 =	vld [tilespmem:s26+$0xFFFFFFF0];
	_ =	sdelay $0x2  }
0x37: {  	v4 =	vand.u32 $0x7FFFFFFF, v5  }
0x38: {  	v8 =	vld [tilespmem:s26+$0xFFFFFFE0];
	v3 =	vsub.f32 $0.0e+00, v4  }
0x39: {  	v11 =	vld [tilespmem:s26+$0x10];
	v12 =	vand.u32 $0x7FFFFFFF, v6  }
0x3a: {  	v7 =	vsub.f32 $0.0e+00, v12;
	v3 =	vmul.f32 $1.442695020e+00, v3;
	_ =	sdelay $0x1  }
0x3b: {  	v7 =	vmul.f32 $1.442695020e+00, v7;
	(erf) = vpow2.f32 v3  }
0x3c: {  	v3 =	vand.u32 $0x7FFFFFFF, v8  }
0x3d: {  	v13 =	vand.u32 $0x7FFFFFFF, v11;
	v9 =	vsub.f32 $0.0e+00, v3;
	(erf) = vpow2.f32 v7  }
0x3e: {  	v7 =	vsub.f32 $0.0e+00, v13  }
0x3f: {  	v9 =	vmul.f32 $1.442695020e+00, v9  }
0x40: {  	v7 =	vmul.f32 $1.442695020e+00, v7  }
0x41: {  	(erf) = vpow2.f32 v9  }
0x42: {  	(erf) = vpow2.f32 v7;
	_ =	sdelay $0x1  }
0x43: {  	v14 =	vpop (erf)  }
0x44: {  	v7 =	vadd.f32 $2.000000000e+00, v14  }
0x45: {  	v9 =	vadd.f32 $1.000000000e+00, v14;
	v15 =	vpop (erf)  }
0x46: {  	v10 =	vadd.f32 $2.000000000e+00, v15;
	(erf) = vrcp.f32 v7  }
0x47: {  	(erf) = vrcp.f32 v9  }
0x48: {  	(erf) = vrcp.f32 v10  }
0x49: {  	v16 =	vpop (erf)  }
0x4a: {  	v17 =	vpop (erf)  }
0x4b: {  	v7 =	vadd.f32 $1.000000000e+00, v16;
	v18 =	vadd.f32 $2.000000000e+00, v17  }
0x4c: {  	v19 =	vadd.f32 $2.000000000e+00, v16;
	v9 =	vadd.f32 $1.000000000e+00, v17  }
0x4d: {  	(erf) = vrcp.f32 v7  }
0x4e: {  	s28 =	simm.s32 $0x9D20;
	(erf) = vrcp.f32 v9  }
0x4f: {  	v10 =	vld [tilespmem:s28+$0x0];
	(erf) = vrcp.f32 v18;
	v18 =	vpop (erf)  }
0x50: {  	v9 =	vld [tilespmem:s28+$0xFFFFFFE0];
	(erf) = vrcp.f32 v19;
	v18 =	vmul.f32 v18, v14;
	v19 =	vpop (erf)  }
0x51: {  	vm0 =	vge.f32 v5, $0.0e+00;
	v5 =	vpop (erf)  }
0x52: {  	v20 =	vmul.f32 v18, v18;
	v5 =	vmul.f32 v5, v15  }
0x53: {  	v21 =	vadd.f32 $1.000000000e+00, v15;
	v14 =	vmul.f32 v19, v14  }
0x54: {  	v7 =	vld [tilespmem:s28+$0x10];
	vm1 =	veq.s32 v10, $0x0;
	v22 =	vmul.f32 $2.857142980e-01, v20;
	v23 =	vmul.f32 v5, v5  }
0x55: {  	vm3 =	vge.f32 v8, $0.0e+00;
	vm1 =	vmxor vm1, vm0;
	vm0 =	veq.s32 v9, $0x0  }
0x56: {  	v8 =	vpop (erf);
	(erf) = vrcp.f32 v21;
	v22 =	vadd.f32 $4.000000060e-01, v22;
	v21 =	vmul.f32 $2.857142980e-01, v23  }
0x57: {  	vm0 =	vmxor vm0, vm3;
	vm3 =	vge.f32 v11, $0.0e+00;
	v11 =	vsel vm1, v19, v14;
	v24 =	vpop (erf)  }
0x58: {  	v11 =	vmul.f32 $1.000000000e+01, v11;
	v14 =	vpop (erf);
	v19 =	vmul.f32 v22, v20;
	v21 =	vadd.f32 $4.000000060e-01, v21  }
0x59: {  	vm2 =	veq.s32 v7, $0x0;
	v14 =	vmul.f32 v14, v17;
	v17 =	vmul.f32 v24, v17  }
0x5a: {  	v22 =	vmul.f32 v8, v16;
	v25 =	vpop (erf);
	v19 =	vadd.f32 $6.666666860e-01, v19;
	v21 =	vmul.f32 v21, v23  }
0x5b: {  	vm2 =	vmxor vm2, vm3;
	v16 =	vmul.f32 v25, v16;
	v25 =	vmul.f32 v14, v14  }
0x5c: {  	v8 =	vsel vm0, v8, v22;
	v22 =	vld [tilespmem:s28+$0xFFFFFFF0];
	v19 =	vmul.f32 v19, v20;
	v20 =	vadd.f32 $6.666666860e-01, v21  }
0x5d: {  	vm3 =	vge.f32 v6, $0.0e+00;
	v17 =	vsel vm2, v24, v17;
	v24 =	vmul.f32 $2.857142980e-01, v25  }
0x5e: {  	v11 =	vtrunc.f32 v11;
	v17 =	vmul.f32 $1.000000000e+01, v17;
	v19 =	vadd.f32 $2.000000000e+00, v19  }
0x5f: {  	v8 =	vmul.f32 $1.000000000e+01, v8;
	v6 =	vmul.f32 v20, v23;
	v23 =	vadd.f32 $4.000000060e-01, v24  }
0x60: {  	v17 =	vtrunc.f32 v17;
	v20 =	vpop (erf);
	v18 =	vmul.f32 v19, v18  }
0x61: {  	vm4 =	veq.s32 v22, $0x0;
	v19 =	vmul.f32 v23, v25;
	v15 =	vmul.f32 v20, v15  }
0x62: {  	s29 =	simm.s32 $0x60;
	v17 =	vcvt.f32.s32 v17;
	vm3 =	vmxor vm4, vm3;
	v6 =	vadd.f32 $2.000000000e+00, v6  }
0x63: {  	v12 =	vnsel vm3, $0x0, v12;
	v19 =	vadd.f32 $6.666666860e-01, v19;
	v15 =	vsel vm3, v20, v15;
	v20 =	vld [tilespmem:s29+$0x0]  }
0x64: {  	v5 =	vmul.f32 v6, v5;
	vm3 =	vlt.s32 v17, $0x9;
	v6 =	vmul.f32 $1.000000000e+01, v15  }
0x65: {  	v15 =	vnsel vm2, $0x0, v13;
	v19 =	vmul.f32 v19, v25;
	v13 =	vnsel vm3, $0x9, v17  }
0x66: {  	v21 =	vmul.f32 v16, v16;
	v17 =	vcvt.f32.s32 v11;
	v11 =	vshll.u32 v13, $0x7;
	v13 =	vld [tilespmem:s29+$0xFFFFFFF0]  }
0x67: {  	v6 =	vtrunc.f32 v6;
	v19 =	vadd.f32 $2.000000000e+00, v19;
	v24 =	vor.u32 v2, v11  }
0x68: {  	v23 =	vmul.f32 $2.857142980e-01, v21;
	v6 =	vcvt.f32.s32 v6;
	v26 =	vand.u32 $0x7FFFFFFF, v20  }
0x69: {  	v25 =	vld [tilespmem:s29+$0xFFFFFFE0];
	v14 =	vmul.f32 v19, v14;
	v19 =	vsub.f32 $0.0e+00, v26  }
0x6a: {  	v8 =	vtrunc.f32 v8;
	v11 =	vadd.f32 $4.000000060e-01, v23;
	v23 =	vld [tilespmem:s29+$0x10];
	vm3 =	vlt.s32 v6, $0x9  }
0x6b: {  	v15 =	vadd.f32 v14, v15;
	v14 =	vand.u32 $0x7FFFFFFF, v13;
	v19 =	vmul.f32 $1.442695020e+00, v19  }
0x6c: {  	vm2 =	vlt.s32 v17, $0x9;
	v6 =	vnsel vm3, $0x9, v6;
	[tilespmem:v24+s15+$0x0] =	vst.idx.add.f32.msk $0xffff, v1;
	v28 =	vsub.f32 $0.0e+00, v14  }
0x6d: {  	s30 =	simm.s32 $0x4EA0;
	v27 =	vmul.f32 v11, v21;
	v6 =	vshll.u32 v6, $0x7;
	[tilespmem:v24+s16+$0x0] =	vst.idx.add.f32.msk $0xffff, v15;
	(erf) = vpow2.f32 v19  }
0x6e: {  	v11 =	vand.u32 $0x7FFFFFFF, v25;
	v6 =	vor.u32 v2, v6;
	v19 =	vld [tilespmem:s30+$0x10];
	v28 =	vmul.f32 $1.442695020e+00, v28  }
0x6f: {  	v17 =	vnsel vm2, $0x9, v17;
	v24 =	vsub.f32 $0.0e+00, v11;
	v15 =	vand.u32 $0x7FFFFFFF, v23  }
0x70: {  	v17 =	vshll.u32 v17, $0x7;
	v29 =	vsub.f32 $0.0e+00, v15;
	(erf) = vpow2.f32 v28  }
0x71: {  	v17 =	vor.u32 v2, v17;
	v27 =	vadd.f32 $6.666666860e-01, v27;
	v24 =	vmul.f32 $1.442695020e+00, v24  }
0x72: {  	v8 =	vcvt.f32.s32 v8;
	v5 =	vadd.f32 v5, v12;
	v28 =	vmul.f32 $1.442695020e+00, v29  }
0x73: {  	v12 =	vmul.f32 v27, v21;
	(erf) = vpow2.f32 v24;
	[tilespmem:v6+s15+$0x0] =	vst.idx.add.f32.msk $0xffff, v1;
	v21 =	vand.u32 $0x7FFFFFFF, v19  }
0x74: {  	v4 =	vnsel vm1, $0x0, v4;
	(erf) = vpow2.f32 v28;
	[tilespmem:v6+s16+$0x0] =	vst.idx.add.f32.msk $0xffff, v5;
	v5 =	vsub.f32 $0.0e+00, v21  }
0x75: {  	v4 =	vadd.f32 v18, v4;
	vm2 =	vlt.s32 v8, $0x9;
	v12 =	vadd.f32 $2.000000000e+00, v12  }
0x76: {  	v8 =	vnsel vm2, $0x9, v8;
	[tilespmem:v17+s15+$0x0] =	vst.idx.add.f32.msk $0xffff, v1;
	v5 =	vmul.f32 $1.442695020e+00, v5;
	v18 =	vpop (erf)  }
0x77: {  	v8 =	vshll.u32 v8, $0x7;
	[tilespmem:v17+s16+$0x0] =	vst.idx.add.f32.msk $0xffff, v4;
	v4 =	vmul.f32 v12, v16;
	v12 =	vadd.f32 $2.000000000e+00, v18  }
0x78: {  	v6 =	vor.u32 v2, v8;
	v8 =	vld [tilespmem:s30+$0xFFFFFFF0];
	(erf) = vpow2.f32 v5  }
0x79: {  	s31 =	simm.s32 $0x9D60;
	v3 =	vnsel vm0, $0x0, v3;
	v16 =	vld [tilespmem:s30+$0x0];
	v5 =	vadd.f32 $1.000000000e+00, v18;
	v24 =	vpop (erf);
	(erf) = vrcp.f32 v12  }
0x7a: {  	v4 =	vadd.f32 v4, v3;
	v3 =	vld [tilespmem:s31+$0x0];
	v12 =	vadd.f32 $2.000000000e+00, v24  }
0x7b: {  	(erf) = vrcp.f32 v5  }
0x7c: {  	vm2 =	veq.s32 v22, $0x1;
	vm0 =	vge.f32 v20, $0.0e+00;
	v27 =	vpop (erf);
	(erf) = vrcp.f32 v12  }
0x7d: {  	[tilespmem:v6+s15+$0x0] =	vst.idx.add.f32.msk $0xffff, v1;
	vm1 =	vge.f32 v8, $0.0e+00;
	v8 =	vand.u32 $0x7FFFFFFF, v8;
	v28 =	vpop (erf);
	v5 =	vadd.f32 $1.000000000e+00, v27  }
0x7e: {  	vm6 =	vge.f32 v16, $0.0e+00;
	[tilespmem:v6+s16+$0x0] =	vst.idx.add.f32.msk $0xffff, v4;
	v6 =	vsub.f32 $0.0e+00, v8;
	v17 =	vadd.f32 $1.000000000e+00, v28  }
0x7f: {  	vm3 =	veq.s32 v3, $0x0;
	v12 =	vadd.f32 $2.000000000e+00, v28;
	(erf) = vrcp.f32 v5  }
0x80: {  	v4 =	vld [tilespmem:s31+$0xFFFFFFE0];
	vm5 =	vmxor vm3, vm0;
	v20 =	vmul.f32 $1.442695020e+00, v6;
	(erf) = vrcp.f32 v17  }
0x81: {  	v6 =	vand.u32 $0x7FFFFFFF, v16;
	v16 =	vadd.f32 $2.000000000e+00, v27;
	(erf) = vrcp.f32 v12;
	v22 =	vpop (erf)  }
0x82: {  	vm3 =	vge.f32 v19, $0.0e+00;
	vm2 =	vmxor vm2, vm1;
	(erf) = vpow2.f32 v20;
	v19 =	vpop (erf)  }
0x83: {  	vm1 =	vge.f32 v25, $0.0e+00;
	v5 =	vld [tilespmem:s31+$0x10];
	(erf) = vrcp.f32 v16;
	v16 =	vmul.f32 v19, v18  }
0x84: {  	v8 =	vnsel vm2, $0x0, v8;
	v17 =	vnsel vm5, $0x0, v26;
	v20 =	vadd.f32 $1.000000000e+00, v22;
	v26 =	vpop (erf)  }
0x85: {  	vm4 =	veq.s32 v4, $0x0;
	v12 =	vadd.f32 $1.000000000e+00, v24;
	v31 =	vpop (erf);
	v30 =	vmul.f32 v16, v16  }
0x86: {  	vm4 =	vmxor vm4, vm1;
	(erf) = vrcp.f32 v20;
	v20 =	vmul.f32 v31, v24  }
0x87: {  	vm1 =	vmmov vm6;
	v18 =	vmul.f32 v26, v18;
	v32 =	vmul.f32 $2.857142980e-01, v30  }
0x88: {  	vm6 =	vge.f32 v23, $0.0e+00;
	vm7 =	veq.s32 v5, $0x0;
	v25 =	vpop (erf);
	v23 =	vmul.f32 v20, v20  }
0x89: {  	v19 =	vadd.f32 $2.000000000e+00, v22;
	v33 =	vpop (erf);
	v18 =	vsel vm5, v26, v18;
	v26 =	vadd.f32 $4.000000060e-01, v32  }
0x8a: {  	(erf) = vrcp.f32 v12;
	vm5 =	vmxor vm7, vm6;
	v34 =	vpop (erf);
	v12 =	vmul.f32 $2.857142980e-01, v23  }
0x8b: {  	v61 =	vld [tilespmem:s31+$0xFFFFFFF0];
	v60 =	vmul.f32 v25, v27;
	vm6 =	veq.s32 v7, $0x1;
	v35 =	vpop (erf);
	v7 =	vmul.f32 v26, v30  }
0x8c: {  	v59 =	vmul.f32 v34, v28;
	v26 =	vmul.f32 v33, v28;
	v28 =	vpop (erf);
	v36 =	vadd.f32 $4.000000060e-01, v12  }
0x8d: {  	vm3 =	vmxor vm6, vm3;
	v12 =	vmul.f32 v28, v27;
	v28 =	vadd.f32 $6.666666860e-01, v7  }
0x8e: {  	v7 =	vnsel vm3, $0x0, v21;
	v21 =	vsel vm4, v25, v60;
	v25 =	vmul.f32 v36, v23  }
0x8f: {  	v31 =	vsub.f32 $0.0e+00, v6;
	v18 =	vmul.f32 $1.000000000e+01, v18;
	v28 =	vmul.f32 v28, v30  }
0x90: {  	vm7 =	veq.s32 v61, $0x0;
	vm6 =	vge.f32 v13, $0.0e+00;
	v25 =	vadd.f32 $6.666666860e-01, v25  }
0x91: {  	(erf) = vrcp.f32 v19;
	v18 =	vtrunc.f32 v18;
	v28 =	vadd.f32 $2.000000000e+00, v28  }
0x92: {  	v27 =	vadd.f32 $1.000000000e+00, v35;
	v19 =	vmul.f32 $1.000000000e+01, v21;
	v13 =	vmul.f32 v25, v23;
	v23 =	vpop (erf)  }
0x93: {  	v62 =	vadd.f32 $2.000000000e+00, v35;
	v21 =	vmul.f32 v12, v12;
	v25 =	vmul.f32 v28, v16;
	v16 =	vpop (erf)  }
0x94: {  	v63 =	vnsel vm5, $0x0, v15;
	(erf) = vrcp.f32 v27;
	v24 =	vmul.f32 v16, v24  }
0x95: {  	vm6 =	vmxor vm7, vm6;
	v30 =	vmul.f32 v59, v59;
	(erf) = vrcp.f32 v62  }
0x96: {  	v13 =	vadd.f32 $2.000000000e+00, v13;
	v28 =	vmul.f32 $1.442695020e+00, v31;
	v15 =	vsel vm6, v16, v24  }
0x97: {  	v14 =	vnsel vm6, $0x0, v14;
	v31 =	vmul.f32 $2.857142980e-01, v21;
	v15 =	vmul.f32 $1.000000000e+01, v15  }
0x98: {  	v26 =	vsel vm5, v33, v26;
	v13 =	vmul.f32 v13, v20;
	v16 =	vcvt.f32.s32 v18  }
0x99: {  	v29 =	vld [tilespmem:s30+$0xFFFFFFE0];
	v20 =	vadd.f32 $4.000000060e-01, v31;
	v18 =	vmul.f32 $2.857142980e-01, v30;
	v15 =	vtrunc.f32 v15  }
0x9a: {  	v14 =	vadd.f32 v13, v14;
	v13 =	vnsel vm4, $0x0, v11;
	v11 =	vpop (erf);
	v15 =	vcvt.f32.s32 v15  }
0x9b: {  	vm4 =	veq.s32 v10, $0x1;
	vm5 =	vlt.s32 v16, $0x9;
	v10 =	vmul.f32 v11, v22  }
0x9c: {  	v11 =	vtrunc.f32 v19;
	v16 =	vnsel vm5, $0x9, v16;
	vm5 =	vlt.s32 v15, $0x9  }
0x9d: {  	v19 =	vmul.f32 v20, v21;
	v18 =	vadd.f32 $4.000000060e-01, v18;
	v15 =	vnsel vm5, $0x9, v15  }
0x9e: {  	vm0 =	vge.f32 v29, $0.0e+00;
	(erf) = vpow2.f32 v28;
	v15 =	vshll.u32 v15, $0x7  }
0x9f: {  	vm6 =	veq.s32 v9, $0x1;
	v19 =	vadd.f32 $6.666666860e-01, v19;
	v15 =	vor.u32 v2, v15  }
0xa0: {  	v9 =	vand.u32 $0x7FFFFFFF, v29;
	v20 =	vmul.f32 $1.000000000e+01, v26;
	v11 =	vcvt.f32.s32 v11  }
0xa1: {  	v16 =	vshll.u32 v16, $0x7;
	v24 =	vmul.f32 v18, v30;
	v18 =	vpop (erf);
	v26 =	vmul.f32 v19, v21  }
0xa2: {  	v28 =	vor.u32 v2, v16;
	v19 =	vtrunc.f32 v20;
	v20 =	vmul.f32 v18, v35  }
0xa3: {  	vm5 =	vlt.s32 v11, $0x9;
	v27 =	vcvt.f32.s32 v19;
	v19 =	vsub.f32 $0.0e+00, v9;
	v21 =	vpop (erf)  }
0xa4: {  	v11 =	vnsel vm5, $0x9, v11;
	v20 =	vsel vm2, v18, v20;
	v18 =	vmul.f32 v21, v35;
	[tilespmem:v15+s15+$0x0] =	vst.idx.add.f32.msk $0xffff, v1  }
0xa5: {  	s20 =	simm.s32 $0x4EE0;
	v11 =	vshll.u32 v11, $0x7;
	v21 =	vadd.f32 $6.666666860e-01, v24;
	v24 =	vmul.f32 $1.442695020e+00, v19;
	[tilespmem:v15+s16+$0x0] =	vst.idx.add.f32.msk $0xffff, v14  }
0xa6: {  	v17 =	vadd.f32 v25, v17;
	v16 =	vor.u32 v2, v11;
	v11 =	vmul.f32 $1.000000000e+01, v20;
	v29 =	vld [tilespmem:s20+$0xFFFFFFF0]  }
0xa7: {  	vm2 =	vlt.s32 v27, $0x9;
	v20 =	vmul.f32 v23, v22;
	v19 =	vpop (erf);
	(erf) = vpow2.f32 v24  }
0xa8: {  	[tilespmem:v28+s15+$0x0] =	vst.idx.add.f32.msk $0xffff, v1;
	v22 =	vmul.f32 v18, v18;
	v11 =	vtrunc.f32 v11;
	v15 =	vadd.f32 $2.000000000e+00, v19  }
0xa9: {  	[tilespmem:v28+s16+$0x0] =	vst.idx.add.f32.msk $0xffff, v17;
	v20 =	vsel vm3, v23, v20;
	v23 =	vadd.f32 $1.000000000e+00, v19;
	v17 =	vcvt.f32.s32 v11  }
0xaa: {  	vm3 =	veq.s32 v61, $0x1;
	v25 =	vmul.f32 $2.857142980e-01, v22;
	(erf) = vrcp.f32 v15  }
0xab: {  	v14 =	vmul.f32 v21, v30;
	v21 =	vmul.f32 v10, v10;
	v11 =	vand.u32 $0x7FFFFFFF, v29  }
0xac: {  	v24 =	vld [tilespmem:s20+$0x0];
	v15 =	vnsel vm2, $0x9, v27;
	(erf) = vrcp.f32 v23;
	v23 =	vsub.f32 $0.0e+00, v11  }
0xad: {  	v28 =	vadd.f32 $4.000000060e-01, v25;
	v14 =	vadd.f32 $2.000000000e+00, v14;
	v15 =	vshll.u32 v15, $0x7  }
0xae: {  	vm5 =	vlt.s32 v17, $0x9;
	v25 =	vadd.f32 $2.000000000e+00, v26;
	v15 =	vor.u32 v2, v15  }
0xaf: {  	v26 =	vnsel vm5, $0x9, v17;
	v28 =	vmul.f32 v28, v22;
	v14 =	vmul.f32 v14, v59  }
0xb0: {  	v26 =	vshll.u32 v26, $0x7;
	vm2 =	vge.f32 v29, $0.0e+00;
	v17 =	vmul.f32 $1.442695020e+00, v23;
	v23 =	vpop (erf)  }
0xb1: {  	s22 =	simm.s32 $0xA0;
	s23 =	simm.s32 $0x9DA0;
	s21 =	simm.s32 $0x4;
	v27 =	vadd.f32 v14, v63;
	v14 =	vand.u32 $0x7FFFFFFF, v24;
	v29 =	vadd.f32 $2.000000000e+00, v23  }
.LBB2_3:
0xb2: {  	s21 =	sadd.s32 $0x4, s21;
	v30 =	vadd.f32 $1.000000000e+00, v23;
	v32 =	vadd.f32 $6.666666860e-01, v28;
	v31 =	vmul.f32 $2.857142980e-01, v21  }
0xb3: {  	vm5 =	vge.f32 v24, $0.0e+00;
	v20 =	vmul.f32 $1.000000000e+01, v20;
	p0 =	slt.u32 s21, $0x4DC;
	[tilespmem:v15+s15+$0x0] =	vst.idx.add.f32.msk $0xffff, v1;
	(erf) = vrcp.f32 v29;
	v24 =	vpop (erf)  }
0xb4: {  	[tilespmem:v15+s16+$0x0] =	vst.idx.add.f32.msk $0xffff, v27;
	v15 =	vmul.f32 v32, v22;
	v27 =	vadd.f32 $4.000000060e-01, v31;
	(erf) = vrcp.f32 v30  }
0xb5: {  	vm6 =	vmxor vm6, vm0;
	v24 =	vmul.f32 v24, v19;
	v20 =	vtrunc.f32 v20;
	v22 =	vld [tilespmem:s22+$0xFFFFFFE0];
	v28 =	vpop (erf)  }
0xb6: {  	v20 =	vcvt.f32.s32 v20;
	v29 =	vld [tilespmem:s22+$0x0];
	v15 =	vadd.f32 $2.000000000e+00, v15;
	v19 =	vmul.f32 v28, v19  }
0xb7: {  	vm0 =	vmxor vm4, vm1;
	v30 =	vmul.f32 v25, v12;
	v32 =	vor.u32 v2, v26;
	v31 =	vld [tilespmem:s20+$0x10]  }
0xb8: {  	v25 =	vnsel vm0, $0x0, v6;
	v6 =	vmovc v14;
	v12 =	vld [tilespmem:s22+$0x10];
	v26 =	vmul.f32 v15, v18;
	v15 =	vsel vm0, v28, v19  }
0xb9: {  	v14 =	vadd.f32 v30, v13;
	vm0 =	vlt.s32 v20, $0x9;
	v18 =	vld [tilespmem:s22+$0xFFFFFFF0];
	v28 =	vmul.f32 $1.000000000e+01, v15  }
0xba: {  	v19 =	vnsel vm0, $0x9, v20;
	v20 =	vmul.f32 v27, v21;
	v13 =	vand.u32 $0x7FFFFFFF, v22;
	[tilespmem:v16+s15+$0x0] =	vst.idx.add.f32.msk $0xffff, v1  }
0xbb: {  	v19 =	vshll.u32 v19, $0x7;
	v15 =	vld [tilespmem:s23+$0x0];
	vm0 =	vge.f32 v29, $0.0e+00;
	v27 =	vand.u32 $0x7FFFFFFF, v29  }
0xbc: {  	v30 =	vor.u32 v2, v19;
	v29 =	vsub.f32 $0.0e+00, v27;
	[tilespmem:v16+s16+$0x0] =	vst.idx.add.f32.msk $0xffff, v14;
	v14 =	vadd.f32 $6.666666860e-01, v20;
	v16 =	vpop (erf)  }
0xbd: {  	v33 =	vsub.f32 $0.0e+00, v13;
	v19 =	vand.u32 $0x7FFFFFFF, v12;
	v34 =	vmul.f32 v16, v23;
	v35 =	vpop (erf)  }
0xbe: {  	v20 =	vand.u32 $0x7FFFFFFF, v18;
	v16 =	vmul.f32 $1.442695020e+00, v29;
	v29 =	vmul.f32 v24, v24  }
0xbf: {  	v28 =	vtrunc.f32 v28;
	v23 =	vmul.f32 v35, v23;
	v36 =	vsub.f32 $0.0e+00, v20  }
0xc0: {  	vm1 =	veq.s32 v15, $0x0;
	(erf) = vpow2.f32 v16;
	v37 =	vmul.f32 $2.857142980e-01, v29  }
0xc1: {  	v21 =	vmul.f32 v14, v21;
	v36 =	vmul.f32 $1.442695020e+00, v36;
	vm4 =	vmxor vm1, vm0;
	v16 =	vld [tilespmem:s20+$0xFFFFFFE0]  }
0xc2: {  	v33 =	vmul.f32 $1.442695020e+00, v33;
	v38 =	vsub.f32 $0.0e+00, v19;
	v39 =	vmul.f32 v34, v34;
	[tilespmem:v30+s15+$0x0] =	vst.idx.add.f32.msk $0xffff, v1  }
0xc3: {  	v14 =	vnsel vm4, $0x0, v27;
	v27 =	vadd.f32 $4.000000060e-01, v37;
	(erf) = vpow2.f32 v36  }
0xc4: {  	v23 =	vsel vm6, v35, v23;
	v21 =	vadd.f32 $2.000000000e+00, v21;
	v36 =	vmul.f32 $1.442695020e+00, v38  }
0xc5: {  	v8 =	vadd.f32 v26, v8;
	v23 =	vmul.f32 $1.000000000e+01, v23;
	(erf) = vpow2.f32 v33  }
0xc6: {  	v28 =	vcvt.f32.s32 v28;
	(erf) = vpow2.f32 v36;
	vm0 =	vge.f32 v16, $0.0e+00;
	[tilespmem:v32+s15+$0x0] =	vst.idx.add.f32.msk $0xffff, v1  }
0xc7: {  	v26 =	vand.u32 $0x7FFFFFFF, v31;
	v23 =	vtrunc.f32 v23;
	[tilespmem:v32+s16+$0x0] =	vst.idx.add.f32.msk $0xffff, v8;
	v8 =	vmul.f32 v27, v29  }
0xc8: {  	vm1 =	vlt.s32 v28, $0x9;
	v27 =	vsub.f32 $0.0e+00, v26;
	v32 =	vmul.f32 $2.857142980e-01, v39  }
0xc9: {  	v28 =	vnsel vm1, $0x9, v28;
	v35 =	vmul.f32 v21, v10;
	v33 =	vpop (erf);
	v8 =	vadd.f32 $6.666666860e-01, v8  }
0xca: {  	v27 =	vmul.f32 $1.442695020e+00, v27;
	v32 =	vadd.f32 $4.000000060e-01, v32;
	v36 =	vadd.f32 $2.000000000e+00, v33  }
0xcb: {  	v28 =	vshll.u32 v28, $0x7;
	v23 =	vcvt.f32.s32 v23;
	v21 =	vld [tilespmem:s23+$0xFFFFFFE0];
	v8 =	vmul.f32 v8, v29  }
0xcc: {  	v40 =	vadd.f32 $1.000000000e+00, v33;
	v10 =	vpop (erf);
	(erf) = vpow2.f32 v27;
	v27 =	vmul.f32 v32, v39  }
0xcd: {  	v28 =	vor.u32 v2, v28;
	vm1 =	vlt.s32 v23, $0x9;
	v32 =	vadd.f32 $1.000000000e+00, v10  }
0xce: {  	vm7 =	vge.f32 v31, $0.0e+00;
	v37 =	vadd.f32 $2.000000000e+00, v10;
	v38 =	vpop (erf);
	(erf) = vrcp.f32 v36  }
0xcf: {  	v27 =	vadd.f32 $6.666666860e-01, v27;
	v31 =	vadd.f32 $2.000000000e+00, v38;
	v36 =	vld [tilespmem:s23+$0x10];
	(erf) = vrcp.f32 v40;
	v29 =	vpop (erf)  }
0xd0: {  	v23 =	vnsel vm1, $0x9, v23;
	v40 =	vadd.f32 $1.000000000e+00, v38;
	v41 =	vadd.f32 $2.000000000e+00, v29  }
0xd1: {  	v23 =	vshll.u32 v23, $0x7;
	v42 =	vadd.f32 $1.000000000e+00, v29;
	(erf) = vrcp.f32 v37  }
0xd2: {  	v27 =	vmul.f32 v27, v39;
	v37 =	vor.u32 v2, v23;
	(erf) = vrcp.f32 v40;
	[tilespmem:v28+s15+$0x0] =	vst.idx.add.f32.msk $0xffff, v1  }
0xd3: {  	v7 =	vadd.f32 v35, v7;
	v8 =	vadd.f32 $2.000000000e+00, v8;
	(erf) = vrcp.f32 v42  }
0xd4: {  	v9 =	vnsel vm6, $0x0, v9;
	v27 =	vadd.f32 $2.000000000e+00, v27;
	(erf) = vrcp.f32 v41  }
0xd5: {  	v8 =	vmul.f32 v8, v24;
	vm1 =	veq.s32 v21, $0x0;
	vm8 =	veq.s32 v36, $0x0;
	v23 =	vpop (erf);
	[tilespmem:v30+s16+$0x0] =	vst.idx.add.f32.msk $0xffff, v7  }
0xd6: {  	v7 =	vmul.f32 v27, v34;
	v24 =	vadd.f32 $2.000000000e+00, v23;
	(erf) = vpow2.f32 v17  }
0xd7: {  	v25 =	vadd.f32 v8, v25;
	v27 =	vadd.f32 $1.000000000e+00, v23;
	(erf) = vrcp.f32 v31;
	v17 =	vpop (erf);
	[tilespmem:v37+s15+$0x0] =	vst.idx.add.f32.msk $0xffff, v1  }
0xd8: {  	vm2 =	vmxor vm3, vm2;
	v7 =	vadd.f32 v7, v9;
	v30 =	vmul.f32 v17, v33;
	v17 =	vpop (erf)  }
0xd9: {  	v8 =	vnsel vm2, $0x0, v11;
	v9 =	vmul.f32 v17, v33;
	(erf) = vrcp.f32 v27;
	[tilespmem:v28+s16+$0x0] =	vst.idx.add.f32.msk $0xffff, v25  }
0xda: {  	vm3 =	vge.f32 v22, $0.0e+00;
	v25 =	vsub.f32 $0.0e+00, v6;
	v22 =	vmul.f32 v30, v30;
	v11 =	vpop (erf);
	[tilespmem:v37+s16+$0x0] =	vst.idx.add.f32.msk $0xffff, v7  }
0xdb: {  	vm6 =	vmxor vm1, vm3;
	vm1 =	vmmov vm5;
	v27 =	vmul.f32 v11, v10;
	v28 =	vpop (erf)  }
0xdc: {  	vm3 =	vge.f32 v12, $0.0e+00;
	v7 =	vmul.f32 $2.857142980e-01, v22;
	v31 =	vpop (erf)  }
0xdd: {  	v9 =	vsel vm4, v17, v9;
	vm4 =	vmxor vm8, vm3;
	v33 =	vmul.f32 v27, v27;
	v11 =	vpop (erf)  }
0xde: {  	v7 =	vadd.f32 $4.000000060e-01, v7;
	v11 =	vmul.f32 v11, v29;
	(erf) = vrcp.f32 v32  }
0xdf: {  	vm3 =	veq.s32 v5, $0x1;
	v17 =	vmul.f32 v28, v38;
	v32 =	vmul.f32 $2.857142980e-01, v33;
	v34 =	vpop (erf)  }
0xe0: {  	vm3 =	vmxor vm3, vm7;
	v29 =	vmul.f32 v31, v29;
	v7 =	vmul.f32 v7, v22;
	v5 =	vpop (erf)  }
0xe1: {  	v35 =	vadd.f32 $1.000000000e+00, v34;
	v12 =	vmul.f32 v5, v38;
	v32 =	vadd.f32 $4.000000060e-01, v32;
	v5 =	vmovc v36  }
0xe2: {  	v36 =	vadd.f32 $6.666666860e-01, v7;
	v7 =	vnsel vm3, $0x0, v26;
	v26 =	vpop (erf)  }
0xe3: {  	v28 =	vsel vm6, v28, v17;
	v37 =	vadd.f32 $2.000000000e+00, v34;
	v17 =	vld [tilespmem:s23+$0xFFFFFFF0];
	v32 =	vmul.f32 v32, v33  }
0xe4: {  	v9 =	vmul.f32 $1.000000000e+01, v9;
	v29 =	vsel vm4, v31, v29;
	v22 =	vmul.f32 v36, v22  }
0xe5: {  	v28 =	vmul.f32 $1.000000000e+01, v28;
	v36 =	vadd.f32 $6.666666860e-01, v32;
	(erf) = vrcp.f32 v24  }
0xe6: {  	s20 =	sadd.s32 $0x40, s20;
	v24 =	vmul.f32 v12, v12;
	v32 =	vmul.f32 v11, v11;
	v22 =	vadd.f32 $2.000000000e+00, v22  }
0xe7: {  	vm5 =	vge.f32 v18, $0.0e+00;
	v18 =	vmul.f32 v36, v33;
	v31 =	vpop (erf)  }
0xe8: {  	v9 =	vtrunc.f32 v9;
	vm7 =	veq.s32 v17, $0x0;
	v22 =	vmul.f32 v22, v30  }
0xe9: {  	v25 =	vmul.f32 $1.442695020e+00, v25;
	vm5 =	vmxor vm7, vm5;
	v18 =	vadd.f32 $2.000000000e+00, v18  }
0xea: {  	v30 =	vmul.f32 $2.857142980e-01, v24;
	v10 =	vmul.f32 v31, v10;
	v20 =	vnsel vm5, $0x0, v20  }
0xeb: {  	v33 =	vmul.f32 v18, v27;
	v27 =	vnsel vm4, $0x0, v19;
	(erf) = vrcp.f32 v35  }
0xec: {  	v9 =	vcvt.f32.s32 v9;
	v10 =	vsel vm5, v31, v10;
	v19 =	vmul.f32 $2.857142980e-01, v32  }
0xed: {  	v30 =	vadd.f32 $4.000000060e-01, v30;
	v10 =	vmul.f32 $1.000000000e+01, v10;
	v20 =	vadd.f32 v33, v20  }
0xee: {  	v13 =	vnsel vm6, $0x0, v13;
	vm5 =	vlt.s32 v9, $0x9;
	(erf) = vrcp.f32 v37;
	v18 =	vpop (erf)  }
0xef: {  	vm4 =	veq.s32 v3, $0x1;
	v3 =	vmovc v15;
	v31 =	vtrunc.f32 v10;
	v10 =	vmul.f32 v18, v23  }
0xf0: {  	v15 =	vtrunc.f32 v28;
	v9 =	vnsel vm5, $0x9, v9;
	v18 =	vcvt.f32.s32 v31  }
0xf1: {  	v30 =	vmul.f32 v30, v24;
	v19 =	vadd.f32 $4.000000060e-01, v19;
	(erf) = vpow2.f32 v25  }
0xf2: {  	v29 =	vmul.f32 $1.000000000e+01, v29;
	vm5 =	vlt.s32 v18, $0x9;
	v25 =	vshll.u32 v9, $0x7  }
0xf3: {  	v19 =	vmul.f32 v19, v32;
	v9 =	vadd.f32 $6.666666860e-01, v30;
	v18 =	vnsel vm5, $0x9, v18  }
0xf4: {  	vm6 =	veq.s32 v4, $0x1;
	v15 =	vcvt.f32.s32 v15;
	v18 =	vshll.u32 v18, $0x7;
	v28 =	vpop (erf)  }
0xf5: {  	v4 =	vmovc v21;
	v30 =	vmul.f32 v9, v24;
	v9 =	vand.u32 $0x7FFFFFFF, v16;
	v24 =	vor.u32 v2, v18  }
0xf6: {  	vm5 =	vlt.s32 v15, $0x9;
	v16 =	vtrunc.f32 v29;
	v18 =	vmul.f32 v28, v34  }
0xf7: {  	v15 =	vnsel vm5, $0x9, v15;
	v29 =	vcvt.f32.s32 v16;
	v16 =	vsub.f32 $0.0e+00, v9;
	v21 =	vpop (erf)  }
0xf8: {  	v25 =	vor.u32 v2, v25;
	v28 =	vsel vm2, v28, v18;
	v18 =	vmul.f32 v21, v34  }
0xf9: {  	v15 =	vshll.u32 v15, $0x7;
	v31 =	vmul.f32 $1.442695020e+00, v16;
	v21 =	vadd.f32 $6.666666860e-01, v19  }
0xfa: {  	v23 =	vmul.f32 v26, v23;
	v16 =	vor.u32 v2, v15;
	v15 =	vmul.f32 $1.000000000e+01, v28;
	[tilespmem:v24+s15+$0x0] =	vst.idx.add.f32.msk $0xffff, v1;
	v19 =	vpop (erf)  }
0xfb: {  	v21 =	vmul.f32 v21, v32;
	[tilespmem:v24+s16+$0x0] =	vst.idx.add.f32.msk $0xffff, v20;
	v24 =	vadd.f32 $2.000000000e+00, v19;
	(erf) = vpow2.f32 v31  }
0xfc: {  	v14 =	vadd.f32 v22, v14;
	v15 =	vtrunc.f32 v15;
	v20 =	vsel vm3, v26, v23;
	v28 =	vld [tilespmem:s20+$0xFFFFFFF0]  }
0xfd: {  	vm2 =	vlt.s32 v29, $0x9;
	v23 =	vadd.f32 $2.000000000e+00, v21;
	v21 =	vmul.f32 v10, v10;
	[tilespmem:v25+s15+$0x0] =	vst.idx.add.f32.msk $0xffff, v1  }
0xfe: {  	v22 =	vmul.f32 v18, v18;
	[tilespmem:v25+s16+$0x0] =	vst.idx.add.f32.msk $0xffff, v14;
	v14 =	vadd.f32 $1.000000000e+00, v19;
	(erf) = vrcp.f32 v24  }
0xff: {  	v26 =	vcvt.f32.s32 v15;
	v25 =	vnsel vm2, $0x9, v29;
	v23 =	vmul.f32 v23, v11  }
0x100: {  	v15 =	vshll.u32 v25, $0x7;
	v25 =	vmul.f32 $2.857142980e-01, v22;
	v24 =	vld [tilespmem:s20+$0x0];
	(erf) = vrcp.f32 v14  }
.Ltmp0:
0x101: {  	vm5 =	vlt.s32 v26, $0x9;
	vm2 =	vge.f32 v28, $0.0e+00;
	v11 =	vand.u32 $0x7FFFFFFF, v28;
	(pc) =	sbr.rel @p0 .LBB2_3-.Ltmp0, $4  }
0x102: {  	v15 =	vor.u32 v2, v15;
	v28 =	vadd.f32 $4.000000060e-01, v25;
	v14 =	vsub.f32 $0.0e+00, v11  }
0x103: {  	vm3 =	veq.s32 v17, $0x1;
	v26 =	vnsel vm5, $0x9, v26;
	v25 =	vadd.f32 $2.000000000e+00, v30  }
0x104: {  	v27 =	vadd.f32 v23, v27;
	v28 =	vmul.f32 v28, v22;
	v17 =	vmul.f32 $1.442695020e+00, v14;
	v23 =	vpop (erf)  }
0x105: {  	s22 =	sadd.s32 $0x40, s22;
	s23 =	sadd.s32 $0x40, s23;
	v26 =	vshll.u32 v26, $0x7;
	v14 =	vand.u32 $0x7FFFFFFF, v24;
	v29 =	vadd.f32 $2.000000000e+00, v23  }
0x106: {  	_ =	sdelay $0x3  }
0x107: {  	[tilespmem:v15+s15+$0x0] =	vst.idx.add.f32.msk $0xffff, v1  }
0x108: {  	[tilespmem:v15+s16+$0x0] =	vst.idx.add.f32.msk $0xffff, v27  }
0x109: {  	v27 =	vld [tilespmem:s20+$0x10];
	_ =	sdelay $0x3  }
0x10a: {  	v30 =	vadd.f32 $1.000000000e+00, v23;
	v28 =	vadd.f32 $6.666666860e-01, v28  }
0x10b: {  	v31 =	vmul.f32 $2.857142980e-01, v21;
	vm5 =	vge.f32 v24, $0.0e+00;
	v15 =	vand.u32 $0x7FFFFFFF, v27  }
0x10c: {  	v20 =	vmul.f32 $1.000000000e+01, v20;
	vm0 =	vmxor vm6, vm0;
	v40 =	vsub.f32 $0.0e+00, v15  }
0x10d: {  	v25 =	vmul.f32 v25, v12;
	vm1 =	vmxor vm4, vm1;
	v12 =	vor.u32 v2, v26  }
0x10e: {  	v37 =	vsub.f32 $0.0e+00, v14;
	(erf) = vrcp.f32 v29;
	v29 =	vmul.f32 $1.442695020e+00, v40  }
0x10f: {  	vm7 =	vmxor vm3, vm2;
	vm9 =	veq.s32 v5, $0x1;
	(erf) = vrcp.f32 v30  }
0x110: {  	vm10 =	veq.s32 v3, $0x1;
	v9 =	vnsel vm0, $0x0, v9;
	(erf) = vpow2.f32 v29  }
0x111: {  	v11 =	vnsel vm7, $0x0, v11;
	vm8 =	vmmov vm5;
	v22 =	vmul.f32 v28, v22  }
0x112: {  	v41 =	vpop (erf);
	v42 =	vadd.f32 $4.000000060e-01, v31;
	v47 =	vadd.f32 v25, v13;
	(erf) = vpow2.f32 v17  }
0x113: {  	[tilespmem:v16+s15+$0x0] =	vst.idx.add.f32.msk $0xffff, v1;
	v24 =	vmul.f32 v41, v19;
	v20 =	vtrunc.f32 v20;
	vm2 =	vmxor vm10, vm8;
	v43 =	vpop (erf)  }
0x114: {  	v20 =	vcvt.f32.s32 v20;
	v22 =	vadd.f32 $2.000000000e+00, v22;
	v44 =	vmul.f32 v43, v19;
	[tilespmem:v16+s16+$0x0] =	vst.idx.add.f32.msk $0xffff, v47  }
0x115: {  	v19 =	vnsel vm1, $0x0, v6;
	v48 =	vmul.f32 v42, v21;
	v50 =	vmul.f32 v24, v24;
	v58 =	vld [tilespmem:s20+$0xFFFFFFE0]  }
0x116: {  	vm11 =	vlt.s32 v20, $0x9;
	v45 =	vmul.f32 v22, v18;
	v46 =	vsel vm1, v43, v44  }
0x117: {  	v20 =	vnsel vm11, $0x9, v20;
	v51 =	vadd.f32 $6.666666860e-01, v48;
	v55 =	vmul.f32 $2.857142980e-01, v50;
	v49 =	vpop (erf)  }
0x118: {  	vm11 =	veq.s32 v4, $0x1;
	v18 =	vmul.f32 $1.000000000e+01, v46;
	v53 =	vshll.u32 v20, $0x7;
	v52 =	vpop (erf)  }
0x119: {  	vm15 =	vge.f32 v27, $0.0e+00;
	v13 =	vor.u32 v2, v53;
	v22 =	vmul.f32 v49, v23;
	v26 =	vpop (erf)  }
0x11a: {  	v57 =	vmul.f32 v51, v21;
	v6 =	vand.u32 $0x7FFFFFFF, v58;
	v60 =	vadd.f32 $1.000000000e+00, v26  }
0x11b: {  	v54 =	vmul.f32 v52, v23;
	v59 =	vmul.f32 v22, v22;
	v63 =	vadd.f32 $2.000000000e+00, v26;
	v36 =	vpop (erf)  }
0x11c: {  	v23 =	vadd.f32 $4.000000060e-01, v55;
	v38 =	vadd.f32 $1.000000000e+00, v36;
	(erf) = vrcp.f32 v60  }
0x11d: {  	v62 =	vmul.f32 $2.857142980e-01, v59;
	v39 =	vadd.f32 $2.000000000e+00, v36;
	(erf) = vrcp.f32 v63  }
0x11e: {  	v40 =	vsub.f32 $0.0e+00, v6;
	v17 =	vmul.f32 $1.442695020e+00, v37;
	(erf) = vrcp.f32 v38  }
0x11f: {  	v23 =	vmul.f32 v23, v50;
	v32 =	vadd.f32 $4.000000060e-01, v62;
	(erf) = vrcp.f32 v39  }
0x120: {  	v8 =	vadd.f32 v45, v8;
	v43 =	vmul.f32 $1.442695020e+00, v40;
	(erf) = vpow2.f32 v17  }
0x121: {  	v56 =	vtrunc.f32 v18;
	v23 =	vadd.f32 $6.666666860e-01, v23;
	v41 =	vmul.f32 v32, v59  }
0x122: {  	v61 =	vcvt.f32.s32 v56;
	v20 =	vsel vm0, v52, v54;
	(erf) = vpow2.f32 v43  }
0x123: {  	v20 =	vmul.f32 $1.000000000e+01, v20;
	v46 =	vmul.f32 v23, v50;
	v44 =	vadd.f32 $6.666666860e-01, v41  }
0x124: {  	v16 =	vadd.f32 $2.000000000e+00, v57;
	vm13 =	vge.f32 v58, $0.0e+00;
	vm12 =	vlt.s32 v61, $0x9  }
0x125: {  	v42 =	vtrunc.f32 v20;
	v20 =	vadd.f32 $2.000000000e+00, v46;
	v21 =	vmul.f32 v44, v59;
	v47 =	vpop (erf)  }
0x126: {  	vm1 =	vmxor vm11, vm13;
	v10 =	vmul.f32 v16, v10;
	v45 =	vnsel vm12, $0x9, v61;
	v49 =	vpop (erf)  }
0x127: {  	v48 =	vshll.u32 v45, $0x7;
	v51 =	vmul.f32 v20, v24;
	v21 =	vadd.f32 $2.000000000e+00, v21;
	v50 =	vpop (erf)  }
0x128: {  	v7 =	vadd.f32 v10, v7;
	vm0 =	vmxor vm9, vm15;
	v16 =	vor.u32 v2, v48;
	v53 =	vpop (erf)  }
0x129: {  	v10 =	vadd.f32 v51, v19;
	v52 =	vmul.f32 v21, v22;
	v21 =	vmul.f32 v53, v36;
	v55 =	vpop (erf)  }
0x12a: {  	v17 =	vcvt.f32.s32 v42;
	v3 =	vmul.f32 v47, v26;
	v56 =	vadd.f32 $2.000000000e+00, v55  }
0x12b: {  	v32 =	vmul.f32 v49, v26;
	v58 =	vadd.f32 $1.000000000e+00, v55;
	v60 =	vpop (erf);
	v57 =	vmul.f32 v21, v21  }
0x12c: {  	v54 =	vmul.f32 v50, v36;
	v62 =	vadd.f32 $2.000000000e+00, v60;
	(erf) = vrcp.f32 v56  }
0x12d: {  	v3 =	vsel vm0, v47, v3;
	v61 =	vmul.f32 $2.857142980e-01, v57;
	(erf) = vrcp.f32 v58  }
0x12e: {  	v22 =	vsel vm7, v50, v54;
	v63 =	vadd.f32 $1.000000000e+00, v60;
	(erf) = vrcp.f32 v62  }
0x12f: {  	v35 =	vmul.f32 v32, v32;
	v59 =	vmul.f32 $1.000000000e+01, v22;
	v22 =	vadd.f32 $4.000000060e-01, v61  }
0x130: {  	vm14 =	vlt.s32 v17, $0x9;
	v3 =	vmul.f32 $1.000000000e+01, v3;
	(erf) = vrcp.f32 v63  }
0x131: {  	v9 =	vadd.f32 v52, v9;
	v17 =	vnsel vm14, $0x9, v17;
	v34 =	vmul.f32 v22, v57  }
0x132: {  	v17 =	vshll.u32 v17, $0x7;
	v37 =	vmul.f32 $2.857142980e-01, v35;
	v3 =	vtrunc.f32 v3  }
0x133: {  	v3 =	vcvt.f32.s32 v3;
	v20 =	vtrunc.f32 v59;
	v36 =	vadd.f32 $6.666666860e-01, v34  }
0x134: {  	v17 =	vor.u32 v2, v17;
	v33 =	vcvt.f32.s32 v20;
	v20 =	vadd.f32 $4.000000060e-01, v37  }
0x135: {  	v59 =	vnsel vm0, $0x0, v15;
	vm13 =	vlt.s32 v3, $0x9;
	v38 =	vpop (erf);
	v4 =	vmul.f32 v36, v57  }
0x136: {  	v3 =	vnsel vm13, $0x9, v3;
	vm12 =	vlt.s32 v33, $0x9;
	v20 =	vmul.f32 v20, v35;
	v39 =	vpop (erf)  }
0x137: {  	v3 =	vshll.u32 v3, $0x7;
	v23 =	vmul.f32 v38, v55;
	v4 =	vadd.f32 $2.000000000e+00, v4;
	v40 =	vpop (erf)  }
0x138: {  	v18 =	vnsel vm12, $0x9, v33;
	v24 =	vmul.f32 v39, v55;
	v42 =	vmul.f32 v40, v60  }
0x139: {  	v20 =	vadd.f32 $6.666666860e-01, v20;
	v43 =	vpop (erf);
	v44 =	vmul.f32 v23, v23;
	v4 =	vmul.f32 v4, v21  }
0x13a: {  	v41 =	vsel vm2, v39, v24;
	v19 =	vmul.f32 v43, v60;
	v45 =	vmul.f32 v42, v42  }
0x13b: {  	v3 =	vor.u32 v2, v3;
	v21 =	vmul.f32 $1.000000000e+01, v41;
	v46 =	vmul.f32 $2.857142980e-01, v44  }
0x13c: {  	v20 =	vmul.f32 v20, v35;
	v19 =	vsel vm1, v43, v19;
	v47 =	vmul.f32 $2.857142980e-01, v45  }
0x13d: {  	[tilespmem:v12+s15+$0x0] =	vst.idx.add.f32.msk $0xffff, v1;
	v21 =	vtrunc.f32 v21;
	v28 =	vadd.f32 $4.000000060e-01, v46;
	v19 =	vmul.f32 $1.000000000e+01, v19  }
0x13e: {  	[tilespmem:v12+s16+$0x0] =	vst.idx.add.f32.msk $0xffff, v8;
	v18 =	vshll.u32 v18, $0x7;
	v21 =	vcvt.f32.s32 v21;
	v48 =	vadd.f32 $4.000000060e-01, v47  }
0x13f: {  	[tilespmem:v13+s15+$0x0] =	vst.idx.add.f32.msk $0xffff, v1;
	v52 =	vadd.f32 $2.000000000e+00, v20;
	v49 =	vtrunc.f32 v19;
	v50 =	vmul.f32 v28, v44  }
0x140: {  	[tilespmem:v13+s16+$0x0] =	vst.idx.add.f32.msk $0xffff, v7;
	v18 =	vor.u32 v2, v18;
	v8 =	vcvt.f32.s32 v49;
	v51 =	vmul.f32 v48, v45  }
0x141: {  	[tilespmem:v16+s15+$0x0] =	vst.idx.add.f32.msk $0xffff, v1;
	v5 =	vmul.f32 v52, v32;
	vm14 =	vlt.s32 v21, $0x9;
	v12 =	vadd.f32 $6.666666860e-01, v50  }
0x142: {  	[tilespmem:v16+s16+$0x0] =	vst.idx.add.f32.msk $0xffff, v10;
	v53 =	vnsel vm14, $0x9, v21;
	vm15 =	vlt.s32 v8, $0x9;
	v19 =	vadd.f32 $6.666666860e-01, v51  }
0x143: {  	[tilespmem:v17+s15+$0x0] =	vst.idx.add.f32.msk $0xffff, v1;
	v13 =	vshll.u32 v53, $0x7;
	v54 =	vmul.f32 v12, v44;
	v8 =	vnsel vm15, $0x9, v8  }
0x144: {  	[tilespmem:v17+s16+$0x0] =	vst.idx.add.f32.msk $0xffff, v9;
	v55 =	vor.u32 v2, v13;
	v8 =	vshll.u32 v8, $0x7;
	v56 =	vmul.f32 v19, v45  }
0x145: {  	[tilespmem:v3+s15+$0x0] =	vst.idx.add.f32.msk $0xffff, v1;
	v60 =	vadd.f32 v5, v59;
	v57 =	vor.u32 v2, v8;
	v58 =	vadd.f32 $2.000000000e+00, v54  }
0x146: {  	[tilespmem:v18+s15+$0x0] =	vst.idx.add.f32.msk $0xffff, v1;
	v4 =	vadd.f32 v4, v11;
	v9 =	vadd.f32 $2.000000000e+00, v56  }
0x147: {  	[tilespmem:v3+s16+$0x0] =	vst.idx.add.f32.msk $0xffff, v60;
	v61 =	vmul.f32 v58, v23  }
0x148: {  	v62 =	vnsel vm2, $0x0, v14;
	[tilespmem:v18+s16+$0x0] =	vst.idx.add.f32.msk $0xffff, v4;
	v9 =	vmul.f32 v9, v42  }
0x149: {  	v6 =	vnsel vm1, $0x0, v6;
	[tilespmem:v55+s15+$0x0] =	vst.idx.add.f32.msk $0xffff, v1;
	v3 =	vadd.f32 v61, v62  }
0x14a: {  	[tilespmem:v57+s15+$0x0] =	vst.idx.add.f32.msk $0xffff, v1;
	v63 =	vadd.f32 v9, v6  }
0x14b: {  	[tilespmem:v55+s16+$0x0] =	vst.idx.add.f32.msk $0xffff, v3  }
0x14c: {  	s20 =	simm.s32 $0x0;
	[tilespmem:v57+s16+$0x0] =	vst.idx.add.f32.msk $0xffff, v63  }
.LBB2_5:
0x14d: {  	s21 =	sshra.s32 s20, $0x2  }
0x14e: {  	v3 =	vld [tilespmem:s21+$0x4E00];
	_ =	sdelay $0x4  }
0x14f: {  	v4 =	vand.u32 $0x7FFFFFFF, v3  }
0x150: {  	v5 =	vsub.f32 $0.0e+00, v4;
	_ =	sdelay $0x1  }
0x151: {  	v5 =	vmul.f32 $1.442695020e+00, v5;
	_ =	sdelay $0x1  }
0x152: {  	(erf) = vpow2.f32 v5;
	_ =	sdelay $0x8  }
0x153: {  	v5 =	vpop (erf)  }
0x154: {  	v6 =	vadd.f32 $1.000000000e+00, v5  }
0x155: {  	v7 =	vadd.f32 $2.000000000e+00, v5  }
0x156: {  	(erf) = vrcp.f32 v6  }
0x157: {  	(erf) = vrcp.f32 v7;
	_ =	sdelay $0x7  }
0x158: {  	v55 =	vld [tilespmem:s21+$0xEB00];
	v56 =	vpop (erf)  }
0x159: {  	v8 =	vpop (erf)  }
0x15a: {  	v8 =	vmul.f32 v8, v5;
	_ =	sdelay $0x1  }
0x15b: {  	v9 =	vmul.f32 v8, v8  }
0x15c: {  	vm0 =	veq.s32 v55, $0x0;
	vm1 =	vge.f32 v3, $0.0e+00;
	v3 =	vmul.f32 v56, v5  }
0x15d: {  	vm0 =	vmxor vm0, vm1;
	v57 =	vmul.f32 $2.857142980e-01, v9  }
0x15e: {  	v3 =	vsel vm0, v56, v3  }
0x15f: {  	v3 =	vmul.f32 $1.000000000e+01, v3;
	v5 =	vadd.f32 $4.000000060e-01, v57;
	_ =	sdelay $0x1  }
0x160: {  	v3 =	vtrunc.f32 v3;
	v5 =	vmul.f32 v5, v9  }
0x161: {  	v3 =	vcvt.f32.s32 v3  }
0x162: {  	v5 =	vadd.f32 $6.666666860e-01, v5  }
0x163: {  	vm12 =	vlt.s32 v3, $0x9  }
0x164: {  	v3 =	vnsel vm12, $0x9, v3;
	v5 =	vmul.f32 v5, v9  }
0x165: {  	v3 =	vshll.u32 v3, $0x7  }
0x166: {  	v3 =	vor.u32 v2, v3;
	v5 =	vadd.f32 $2.000000000e+00, v5;
	_ =	sdelay $0x1  }
0x167: {  	v5 =	vmul.f32 v5, v8  }
0x168: {  	v4 =	vnsel vm0, $0x0, v4  }
0x169: {  	v4 =	vadd.f32 v5, v4  }
0x16a: {  	[tilespmem:v3+s15+$0x0] =	vst.idx.add.f32.msk $0xffff, v1  }
0x16b: {  	[tilespmem:v3+s16+$0x0] =	vst.idx.add.f32.msk $0xffff, v4  }
0x16c: {  	v3 =	vld [tilespmem:s21+$0x9C80];
	_ =	sdelay $0x4  }
0x16d: {  	v58 =	vand.u32 $0x7FFFFFFF, v3  }
0x16e: {  	v59 =	vsub.f32 $0.0e+00, v58;
	_ =	sdelay $0x1  }
0x16f: {  	v5 =	vmul.f32 $1.442695020e+00, v59;
	_ =	sdelay $0x1  }
0x170: {  	(erf) = vpow2.f32 v5;
	_ =	sdelay $0x8  }
0x171: {  	v5 =	vpop (erf)  }
0x172: {  	v60 =	vadd.f32 $1.000000000e+00, v5  }
0x173: {  	v61 =	vadd.f32 $2.000000000e+00, v5  }
0x174: {  	(erf) = vrcp.f32 v60  }
0x175: {  	(erf) = vrcp.f32 v61;
	_ =	sdelay $0x7  }
0x176: {  	v7 =	vpop (erf)  }
0x177: {  	v8 =	vpop (erf)  }
0x178: {  	v8 =	vmul.f32 v8, v5;
	_ =	sdelay $0x1  }
0x179: {  	v62 =	vmul.f32 v8, v8  }
0x17a: {  	vm13 =	veq.s32 v55, $0x1;
	vm14 =	vge.f32 v3, $0.0e+00;
	v3 =	vmul.f32 v7, v5  }
0x17b: {  	vm0 =	vmxor vm13, vm14;
	v63 =	vmul.f32 $2.857142980e-01, v62  }
0x17c: {  	v3 =	vsel vm0, v7, v3  }
0x17d: {  	v3 =	vmul.f32 $1.000000000e+01, v3;
	v5 =	vadd.f32 $4.000000060e-01, v63;
	_ =	sdelay $0x1  }
0x17e: {  	v3 =	vtrunc.f32 v3;
	v5 =	vmul.f32 v5, v62  }
0x17f: {  	v3 =	vcvt.f32.s32 v3  }
0x180: {  	v5 =	vadd.f32 $6.666666860e-01, v5  }
0x181: {  	vm15 =	vlt.s32 v3, $0x9  }
0x182: {  	v3 =	vnsel vm15, $0x9, v3;
	v5 =	vmul.f32 v5, v62  }
0x183: {  	v3 =	vshll.u32 v3, $0x7  }
0x184: {  	v3 =	vor.u32 v2, v3;
	v5 =	vadd.f32 $2.000000000e+00, v5  }
0x185: {  	p0 =	sne.s32 s20, $0x40  }
.Ltmp1:
0x186: {  	v5 =	vmul.f32 v5, v8;
	(pc) =	sbr.rel @p0 .LBB2_5-.Ltmp1, $4  }
0x187: {  	v4 =	vnsel vm0, $0x0, v58  }
0x188: {  	v4 =	vadd.f32 v5, v4  }
0x189: {  	[tilespmem:v3+s15+$0x0] =	vst.idx.add.f32.msk $0xffff, v1  }
0x18a: {  	s20 =	sadd.s32 $0x40, s20;
	[tilespmem:v3+s16+$0x0] =	vst.idx.add.f32.msk $0xffff, v4  }
0x18b: {  	s19 =	sadd.s32 $0x1, s19  }
0x18c: {  	p0 =	sne.s32 s19, $0x4  }
.Ltmp2:
0x18d: {  	_ = 	snop;
	(pc) =	sbr.rel @p0 .LBB2_2-.Ltmp2, $1  }
0x18e: {  	_ =	sdelay $0x3  }
0x18f: {  	[hbm4b:s7+s5] =	stream.linear.scatter [tilespmem:s15], [sflag:$0x4], $0x500, $0x38;
	[tilespmem:$0xFB80] =	vst v63  }
0x190: {  	s18 =	sadd.s32 $0x1, s18;
	_ =	swait.ge [sflag:s17], $0x500  }
0x191: {  	p0 =	sne.s32 s18, s9;
	[sflag:s17] =	ssyncset.done $0x0  }
.Ltmp3:
0x192: {  	[sflag:s17] =	ssyncadd.s32 $0xFFFFFB00;
	(pc) =	sbr.rel @p0 .LBB2_1-.Ltmp3, $4  }
0x193: {  	[hbm4b:s8+s5] =	stream.linear.scatter [tilespmem:s16], [sflag:$0x4], $0x500, $0x38;
	[tilespmem:$0xFB80] =	vst v63  }
0x194: {  	_ =	swait.ge [sflag:s17], $0x500  }
0x195: {  	[sflag:s17] =	ssyncset.done $0x0  }
0x196: {  	[sflag:s17] =	ssyncadd.s32 $0xFFFFFB00  }
0x197: {  	_ =	sfence.sel $0x180000  }
0x198: {  	[bflag:$0x0] =	sbarrier.arrive $0xFFFF  }
0x199: {  	p0 =	sne.s32 s3, $0x0;
	_ =	strace $0x90000047  }
0x19a: {  	s0 =	sadd.s32 @!p0 $0x100000, s0;
	[bflag:$0x2] =	sbarrier.arrive $0xFFFF  }
0x19b: {  	[sflag:s0] =	ssyncadd.tile.s32 @!p0 $0x1;
	_ =	shalt  }
.Lfunc_end2:
_tile_overlayer_lowered:
.L_overlay_start_2:
0x19c: {  	(tag) =	ssettag $0x2  }
0x19d: {  	s0 =	rddreg [dreg:$0x0];
	s2 =	stileid.u32  }
0x19e: {  	s1 =	rddreg [dreg:$0x1];
	p0 =	sne.s32 s2, $0x0  }
0x19f: {  	s3 =	rddreg [dreg:$0x2];
	[bflag:$0x3] =	sbarrier.arrive $0xFFFF;
	s2 =	simm.s32 @!p0 $0x1C04  }
0x1a0: {  	[timem:s3], [sflag:s2] =	dma.local @!p0 [hbm:s0], s1  }
0x1a1: {  	s0 =	simm.s32 @!p0 $0x4  }
0x1a2: {  	_ =	swait.ge @!p0 [sflag:s0], s1  }
0x1a3: {  	s1 =	ssub.s32 @!p0 $0x0, s1;
	[sflag:s0] =	ssyncset.done @!p0 $0x0  }
0x1a4: {  	[sflag:s0] =	ssyncadd.s32 @!p0 s1  }
0x1a5: {  	[bflag:$0x3] =	sbarrier.arrive $0xFFFF  }
0x1a6: {  	_ =	shalt  }

</sc_bundles>
